<compile_context>
chip_gen: v7x
topology: tpu7x:2x2x1
jax: 0.10.2.dev20260603
libtpu: 0.0.44.dev20260713+nightly
codegen_flags: <defaults>
</compile_context>

<pallas_src>
import functools

import jax
import jax.numpy as jnp
from jax import lax
from jax.experimental import pallas as pl
from jax.experimental.pallas import tpu as pltpu
from jax.experimental.pallas import tpu_sc as plsc

_B = 16384
_D = 64
_F = 32
_H = 64
_NN = 1000000
_BW = 8192
_SH = 13
_NBLK = 31
_V4 = _NBLK * _BW
_LASTBLK = _NN // _BW
_NC = 2
_NS = 16
_NW = _NC * _NS
_BPW = _B // _NW
_CHUNK = 64
_K = _BPW // _CHUNK


def _repack_body(a_ref, b_ref, c_ref, d_ref, out_ref):
    r = lax.broadcasted_iota(jnp.int32, (4 * _D, 4 * _D), 0)
    c = lax.broadcasted_iota(jnp.int32, (4 * _D, 4 * _D), 1)
    ci = c & 127
    perm = ((ci >> 5) << 6) + ((ci & 31) << 1) + (c >> 7)
    em = jnp.float32(1) * (r == perm)
    astack = jnp.concatenate(
        [a_ref[...], b_ref[...], c_ref[...], d_ref[...]], axis=0)
    t = lax.dot_general(astack, em, (((0,), (0,)), ((), ())),
                        preferred_element_type=jnp.float32)
    lo = lax.bitcast_convert_type(
        t[:, : 2 * _D].astype(jnp.bfloat16), jnp.uint16).astype(jnp.uint32)
    hi = lax.bitcast_convert_type(
        t[:, 2 * _D:].astype(jnp.bfloat16), jnp.uint16).astype(jnp.uint32)
    out_ref[...] = lax.bitcast_convert_type(lo | (hi << 16), jnp.float32)


_repack = pl.pallas_call(
    _repack_body,
    grid=(_NBLK,),
    in_specs=[
        pl.BlockSpec((_D, _BW),
                     lambda i, k=k: (0, jnp.minimum(4 * i + k, _LASTBLK)))
        for k in range(4)
    ],
    out_specs=pl.BlockSpec((_BW, 2 * _D), lambda i: (i, 0)),
    out_shape=jax.ShapeDtypeStruct((_V4, 2 * _D), jnp.float32),
    compiler_params=pltpu.CompilerParams(
        dimension_semantics=("parallel",),
    ),
)


def _sc_gather_body(table_hbm, idx_hbm, out_hbm, idx_v, rows_v, sem, wsem):
    wid = lax.axis_index("s") * _NC + lax.axis_index("c")
    pltpu.sync_copy(idx_hbm.at[wid], idx_v)
    copies = [
        pltpu.async_copy(
            table_hbm.at[idx_v.at[j]],
            rows_v.at[pl.ds(j * _CHUNK, _CHUNK)],
            sem,
        )
        for j in range(_K)
    ]
    wcopies = []
    for j, c in enumerate(copies):
        c.wait()
        wcopies.append(pltpu.async_copy(
            rows_v.at[pl.ds(j * _CHUNK, _CHUNK)],
            out_hbm.at[pl.ds(wid * _BPW + j * _CHUNK, _CHUNK)],
            wsem,
        ))
    for w in wcopies:
        w.wait()


_sc_gather = functools.partial(
    pl.kernel,
    mesh=plsc.VectorSubcoreMesh(core_axis_name="c", subcore_axis_name="s"),
    out_type=jax.ShapeDtypeStruct((_B, 2 * _D), jnp.float32),
    scratch_types=[
        pltpu.VMEM((_K, _CHUNK), jnp.int32),
        pltpu.VMEM((_BPW, 2 * _D), jnp.float32),
        pltpu.SemaphoreType.DMA,
        pltpu.SemaphoreType.DMA,
    ],
    compiler_params=pltpu.CompilerParams(use_tc_tiling_on_sc=True),
)(_sc_gather_body)


_R = 4096


def _mlp_body(g_ref, featt_ref, quad_ref, w1p_ref, b1_ref,
              w2_ref, b2_ref, out_ref):
    w1me = w1p_ref[: _F, :]
    w1mo = w1p_ref[_F: 2 * _F, :]
    w1f = w1p_ref[2 * _F:, :]
    w1me4 = jnp.concatenate([w1me, w1me, w1me, w1me], axis=0)
    w1mo4 = jnp.concatenate([w1mo, w1mo, w1mo, w1mo], axis=0)
    w = lax.bitcast_convert_type(g_ref[...], jnp.uint32)
    ge = lax.bitcast_convert_type((w & 0xFFFF).astype(jnp.uint16),
                                  jnp.bfloat16)
    go = lax.bitcast_convert_type((w >> 16).astype(jnp.uint16), jnp.bfloat16)
    lane_q = (lax.broadcasted_iota(jnp.int32, (1, 2 * _D), 1) >> 5).astype(
        jnp.float32)
    quad = quad_ref[...].reshape(_R, 1)
    mask = (jnp.float32(1) * (lane_q == quad)).astype(jnp.bfloat16)
    hm = (jnp.dot(ge * mask, w1me4.astype(jnp.bfloat16),
                  preferred_element_type=jnp.float32)
          + jnp.dot(go * mask, w1mo4.astype(jnp.bfloat16),
                    preferred_element_type=jnp.float32))
    hf = lax.dot_general(featt_ref[...], w1f, (((0,), (0,)), ((), ())),
                         preferred_element_type=jnp.float32)
    h = jnp.maximum(hm + hf + b1_ref[...].reshape(1, _H), 0.0)
    out = (jnp.dot(h, w2_ref[...], preferred_element_type=jnp.float32)
           + b2_ref[...].reshape(1, 1))
    out_ref[...] = out.reshape(_R)


_mlp = pl.pallas_call(
    _mlp_body,
    grid=(_B // _R,),
    in_specs=[
        pl.BlockSpec((_R, 2 * _D), lambda i: (i, 0)),
        pl.BlockSpec((_F, _R), lambda i: (0, i)),
        pl.BlockSpec((_R,), lambda i: (i,)),
        pl.BlockSpec((3 * _F, _H), lambda i: (0, 0)),
        pl.BlockSpec((_H,), lambda i: (0,)),
        pl.BlockSpec((_H, 1), lambda i: (0, 0)),
        pl.BlockSpec((1,), lambda i: (0,)),
    ],
    out_specs=pl.BlockSpec((_R,), lambda i: (i,)),
    out_shape=jax.ShapeDtypeStruct((_B,), jnp.float32),
    compiler_params=pltpu.CompilerParams(
        dimension_semantics=("parallel",),
    ),
)


def kernel(n_id, node_features_at_t, memory, W1, b1, W2, b2):
    packed = _repack(memory.T, memory.T, memory.T, memory.T)
    n = n_id.astype(jnp.int32)
    ib = n >> _SH
    pos = n & (_BW - 1)
    row = ((ib >> 2) << _SH) | pos
    quad = (ib & 3).astype(jnp.float32)
    idx = row.reshape(_NW, _K, _CHUNK)
    g = _sc_gather(packed, idx)
    w1p = jnp.concatenate([W1[0:_D:2], W1[1:_D:2], W1[_D:]], axis=0)
    out = _mlp(g, node_features_at_t.T, quad, w1p, b1, W2, b2)
    return out.reshape(_B, 1)

# --- scband reference (transcript-rebuilt; emitter-appended) ---
"""Pipeline reference for scband-simple-temporal-gnn-10840497455779 (READ-ONLY COPY).

The authoritative reference and input builder live on the scoring server;
editing this copy changes nothing except your own understanding.
"""

import jax, jax.numpy as jnp
import numpy as np

NUM_NODES = 1000000
NUM_FEATS = 32
MEM_DIM = 64
BATCH = 16384

def setup_inputs(seed: int = 0) -> dict:
    key = jax.random.key(seed)
    ks = jax.random.split(key, 7)
    n_id = jax.random.randint(ks[0], (BATCH,), 0, NUM_NODES)
    node_features_at_t = jax.random.normal(ks[1], (BATCH, NUM_FEATS), dtype=jnp.float32)
    # non-trainable memory parameter, sized [num_nodes, memory_dim]
    memory = jax.random.normal(ks[2], (NUM_NODES, MEM_DIM), dtype=jnp.float32)
    # classifier: Linear(memory_dim + num_node_features, 64) -> ReLU -> Linear(64, 1)
    W1 = jax.random.normal(ks[3], (MEM_DIM + NUM_FEATS, 64), dtype=jnp.float32) * 0.1
    b1 = jnp.zeros((64,), dtype=jnp.float32)
    W2 = jax.random.normal(ks[4], (64, 1), dtype=jnp.float32) * 0.1
    b2 = jnp.zeros((1,), dtype=jnp.float32)
    return {"n_id": n_id, "node_features_at_t": node_features_at_t, "memory": memory, "W1": W1, "b1": b1, "W2": W2, "b2": b2}

def reference(n_id, node_features_at_t, memory, W1, b1, W2, b2):
    # node_memory = self.memory[n_id]  (gather from large memory table)
    node_memory = jnp.take(memory, n_id, axis=0)
    # combined_features = torch.cat([node_memory, node_features_at_t], dim=1)
    combined = jnp.concatenate([node_memory, node_features_at_t], axis=1)
    # classifier: Linear -> ReLU -> Linear
    h = jnp.maximum(combined @ W1 + b1, 0.0)
    out = h @ W2 + b2
    return out

if __name__ == "__main__":
    import jax
    _d = setup_inputs()
    print(jax.jit(kernel)(*tuple(_d.values())))

</pallas_src>

<mosaic_0001>
#map = affine_map<(d0, d1) -> (0, 0)>
#map1 = affine_map<(d0, d1) -> (0, 0, 0)>
module attributes {stable_mosaic.version = 14 : i64} {
  func.func @_sc_gather_body(%arg0: i32, %arg1: i32, %arg2: memref<253952x128xf32, #tpu.memory_space<hbm>>, %arg3: memref<32x8x64xi32, #tpu.memory_space<hbm>>, %arg4: memref<16384x128xf32, #tpu.memory_space<hbm>>, %arg5: memref<8x64xi32, #tpu.memory_space<vmem>>, %arg6: memref<512x128xf32, #tpu.memory_space<vmem>>, %arg7: memref<!tpu.dma_semaphore, #tpu.memory_space<semaphore_mem>>, %arg8: memref<!tpu.dma_semaphore, #tpu.memory_space<semaphore_mem>>) attributes {dimension_semantics = [#tpu.dimension_semantics<core_parallel>, #tpu.dimension_semantics<subcore_parallel>], iteration_bounds = array<i64: 2, 16>, scalar_prefetch = 0 : i64, scratch_operands = 4 : i64, tpu.core_type = #tpu.core_type<sc_vector_subcore>, window_params = [{transform_indices = #map}, {transform_indices = #map1}, {transform_indices = #map}]} {
    %mul3A = arith.constant 2 : i32
    %mul3A_0 = arith.muli %arg1, %mul3A : i32
    %add3A = arith.addi %mul3A_0, %arg0 : i32
    "tpu.region"() ({
      %run_scoped3A = tpu.sem_alloc : memref<!tpu.dma_semaphore, #tpu.memory_space<semaphore_mem>>
      %dma_start3A_351 = arith.constant 0 : i32
      %dma_start3A_352 = arith.constant 0 : i32
      %dma_start3A_353 = tpu.memref_slice %arg3[%add3A, %dma_start3A_351, %dma_start3A_352] : memref<32x8x64xi32, #tpu.memory_space<hbm>> -> memref<1x8x64xi32, #tpu.memory_space<hbm>>
      %dma_start3A_354 = tpu.memref_squeeze %dma_start3A_353 : memref<1x8x64xi32, #tpu.memory_space<hbm>> -> memref<8x64xi32, #tpu.memory_space<hbm>>
      %dma_start3A_355 = arith.constant 0 : i32
      %dma_start3A_356 = arith.constant 0 : i32
      %dma_start3A_357 = tpu.memref_slice %arg3[%add3A, %dma_start3A_355, %dma_start3A_356] : memref<32x8x64xi32, #tpu.memory_space<hbm>> -> memref<1x8x64xi32, #tpu.memory_space<hbm>>
      %dma_start3A_358 = tpu.memref_squeeze %dma_start3A_357 : memref<1x8x64xi32, #tpu.memory_space<hbm>> -> memref<8x64xi32, #tpu.memory_space<hbm>>
      tpu.enqueue_dma source(%dma_start3A_358 : memref<8x64xi32, #tpu.memory_space<hbm>>) target(%arg5 : memref<8x64xi32, #tpu.memory_space<vmem>>) target_semaphore(%run_scoped3A : memref<!tpu.dma_semaphore, #tpu.memory_space<semaphore_mem>>)
      %dma_wait3A_359 = arith.constant 0 : i32
      %dma_wait3A_360 = arith.constant 0 : i32
      %dma_wait3A_361 = tpu.memref_slice %arg3[%add3A, %dma_wait3A_359, %dma_wait3A_360] : memref<32x8x64xi32, #tpu.memory_space<hbm>> -> memref<1x8x64xi32, #tpu.memory_space<hbm>>
      %dma_wait3A_362 = tpu.memref_squeeze %dma_wait3A_361 : memref<1x8x64xi32, #tpu.memory_space<hbm>> -> memref<8x64xi32, #tpu.memory_space<hbm>>
      %dma_wait3A_363 = arith.constant 0 : i32
      %dma_wait3A_364 = arith.constant 0 : i32
      %dma_wait3A_365 = tpu.memref_slice %arg3[%add3A, %dma_wait3A_363, %dma_wait3A_364] : memref<32x8x64xi32, #tpu.memory_space<hbm>> -> memref<1x8x64xi32, #tpu.memory_space<hbm>>
      %dma_wait3A_366 = tpu.memref_squeeze %dma_wait3A_365 : memref<1x8x64xi32, #tpu.memory_space<hbm>> -> memref<8x64xi32, #tpu.memory_space<hbm>>
      tpu.wait_dma2 semaphore(%run_scoped3A : memref<!tpu.dma_semaphore, #tpu.memory_space<semaphore_mem>>) src(%dma_wait3A_366 : memref<8x64xi32, #tpu.memory_space<hbm>>) dst(%arg5 : memref<8x64xi32, #tpu.memory_space<vmem>>)
      tpu.yield
    }) : () -> ()
    %dma_start3A = arith.constant 0 : i32
    %dma_start3A_1 = arith.constant 0 : i32
    %dma_start3A_2 = arith.constant 0 : i32
    %dma_start3A_3 = tpu.memref_slice %arg6[%dma_start3A_1, %dma_start3A_2] : memref<512x128xf32, #tpu.memory_space<vmem>> -> memref<64x128xf32, #tpu.memory_space<vmem>>
    %dma_start3A_4 = arith.constant 0 : i32
    %dma_start3A_5 = tpu.memref_slice %arg5[%dma_start3A, %dma_start3A_4] : memref<8x64xi32, #tpu.memory_space<vmem>> -> memref<1x64xi32, #tpu.memory_space<vmem>>
    %dma_start3A_6 = tpu.memref_squeeze %dma_start3A_5 : memref<1x64xi32, #tpu.memory_space<vmem>> -> memref<64xi32, #tpu.memory_space<vmem>>
    %dma_start3A_7 = arith.constant 0 : i32
    %dma_start3A_8 = arith.constant 0 : i32
    %dma_start3A_9 = tpu.memref_slice %arg2[%dma_start3A_7, %dma_start3A_8] : memref<253952x128xf32, #tpu.memory_space<hbm>> -> memref<253952x128xf32, #tpu.memory_space<hbm>>
    tpu.enqueue_indirect_dma source(%dma_start3A_9 : memref<253952x128xf32, #tpu.memory_space<hbm>>) target(%dma_start3A_3 : memref<64x128xf32, #tpu.memory_space<vmem>>) offsets(%dma_start3A_6 : memref<64xi32, #tpu.memory_space<vmem>>) semaphore(%arg7 : memref<!tpu.dma_semaphore, #tpu.memory_space<semaphore_mem>>)
    %dma_start3A_10 = arith.constant 1 : i32
    %dma_start3A_11 = arith.constant 64 : i32
    %dma_start3A_12 = arith.constant 0 : i32
    %dma_start3A_13 = tpu.memref_slice %arg6[%dma_start3A_11, %dma_start3A_12] : memref<512x128xf32, #tpu.memory_space<vmem>> -> memref<64x128xf32, #tpu.memory_space<vmem>>
    %dma_start3A_14 = arith.constant 0 : i32
    %dma_start3A_15 = tpu.memref_slice %arg5[%dma_start3A_10, %dma_start3A_14] : memref<8x64xi32, #tpu.memory_space<vmem>> -> memref<1x64xi32, #tpu.memory_space<vmem>>
    %dma_start3A_16 = tpu.memref_squeeze %dma_start3A_15 : memref<1x64xi32, #tpu.memory_space<vmem>> -> memref<64xi32, #tpu.memory_space<vmem>>
    %dma_start3A_17 = arith.constant 0 : i32
    %dma_start3A_18 = arith.constant 0 : i32
    %dma_start3A_19 = tpu.memref_slice %arg2[%dma_start3A_17, %dma_start3A_18] : memref<253952x128xf32, #tpu.memory_space<hbm>> -> memref<253952x128xf32, #tpu.memory_space<hbm>>
    tpu.enqueue_indirect_dma source(%dma_start3A_19 : memref<253952x128xf32, #tpu.memory_space<hbm>>) target(%dma_start3A_13 : memref<64x128xf32, #tpu.memory_space<vmem>>) offsets(%dma_start3A_16 : memref<64xi32, #tpu.memory_space<vmem>>) semaphore(%arg7 : memref<!tpu.dma_semaphore, #tpu.memory_space<semaphore_mem>>)
    %dma_start3A_20 = arith.constant 2 : i32
    %dma_start3A_21 = arith.constant 128 : i32
    %dma_start3A_22 = arith.constant 0 : i32
    %dma_start3A_23 = tpu.memref_slice %arg6[%dma_start3A_21, %dma_start3A_22] : memref<512x128xf32, #tpu.memory_space<vmem>> -> memref<64x128xf32, #tpu.memory_space<vmem>>
    %dma_start3A_24 = arith.constant 0 : i32
    %dma_start3A_25 = tpu.memref_slice %arg5[%dma_start3A_20, %dma_start3A_24] : memref<8x64xi32, #tpu.memory_space<vmem>> -> memref<1x64xi32, #tpu.memory_space<vmem>>
    %dma_start3A_26 = tpu.memref_squeeze %dma_start3A_25 : memref<1x64xi32, #tpu.memory_space<vmem>> -> memref<64xi32, #tpu.memory_space<vmem>>
    %dma_start3A_27 = arith.constant 0 : i32
    %dma_start3A_28 = arith.constant 0 : i32
    %dma_start3A_29 = tpu.memref_slice %arg2[%dma_start3A_27, %dma_start3A_28] : memref<253952x128xf32, #tpu.memory_space<hbm>> -> memref<253952x128xf32, #tpu.memory_space<hbm>>
    tpu.enqueue_indirect_dma source(%dma_start3A_29 : memref<253952x128xf32, #tpu.memory_space<hbm>>) target(%dma_start3A_23 : memref<64x128xf32, #tpu.memory_space<vmem>>) offsets(%dma_start3A_26 : memref<64xi32, #tpu.memory_space<vmem>>) semaphore(%arg7 : memref<!tpu.dma_semaphore, #tpu.memory_space<semaphore_mem>>)
    %dma_start3A_30 = arith.constant 3 : i32
    %dma_start3A_31 = arith.constant 192 : i32
    %dma_start3A_32 = arith.constant 0 : i32
    %dma_start3A_33 = tpu.memref_slice %arg6[%dma_start3A_31, %dma_start3A_32] : memref<512x128xf32, #tpu.memory_space<vmem>> -> memref<64x128xf32, #tpu.memory_space<vmem>>
    %dma_start3A_34 = arith.constant 0 : i32
    %dma_start3A_35 = tpu.memref_slice %arg5[%dma_start3A_30, %dma_start3A_34] : memref<8x64xi32, #tpu.memory_space<vmem>> -> memref<1x64xi32, #tpu.memory_space<vmem>>
    %dma_start3A_36 = tpu.memref_squeeze %dma_start3A_35 : memref<1x64xi32, #tpu.memory_space<vmem>> -> memref<64xi32, #tpu.memory_space<vmem>>
    %dma_start3A_37 = arith.constant 0 : i32
    %dma_start3A_38 = arith.constant 0 : i32
    %dma_start3A_39 = tpu.memref_slice %arg2[%dma_start3A_37, %dma_start3A_38] : memref<253952x128xf32, #tpu.memory_space<hbm>> -> memref<253952x128xf32, #tpu.memory_space<hbm>>
    tpu.enqueue_indirect_dma source(%dma_start3A_39 : memref<253952x128xf32, #tpu.memory_space<hbm>>) target(%dma_start3A_33 : memref<64x128xf32, #tpu.memory_space<vmem>>) offsets(%dma_start3A_36 : memref<64xi32, #tpu.memory_space<vmem>>) semaphore(%arg7 : memref<!tpu.dma_semaphore, #tpu.memory_space<semaphore_mem>>)
    %dma_start3A_40 = arith.constant 4 : i32
    %dma_start3A_41 = arith.constant 256 : i32
    %dma_start3A_42 = arith.constant 0 : i32
    %dma_start3A_43 = tpu.memref_slice %arg6[%dma_start3A_41, %dma_start3A_42] : memref<512x128xf32, #tpu.memory_space<vmem>> -> memref<64x128xf32, #tpu.memory_space<vmem>>
    %dma_start3A_44 = arith.constant 0 : i32
    %dma_start3A_45 = tpu.memref_slice %arg5[%dma_start3A_40, %dma_start3A_44] : memref<8x64xi32, #tpu.memory_space<vmem>> -> memref<1x64xi32, #tpu.memory_space<vmem>>
    %dma_start3A_46 = tpu.memref_squeeze %dma_start3A_45 : memref<1x64xi32, #tpu.memory_space<vmem>> -> memref<64xi32, #tpu.memory_space<vmem>>
    %dma_start3A_47 = arith.constant 0 : i32
    %dma_start3A_48 = arith.constant 0 : i32
    %dma_start3A_49 = tpu.memref_slice %arg2[%dma_start3A_47, %dma_start3A_48] : memref<253952x128xf32, #tpu.memory_space<hbm>> -> memref<253952x128xf32, #tpu.memory_space<hbm>>
    tpu.enqueue_indirect_dma source(%dma_start3A_49 : memref<253952x128xf32, #tpu.memory_space<hbm>>) target(%dma_start3A_43 : memref<64x128xf32, #tpu.memory_space<vmem>>) offsets(%dma_start3A_46 : memref<64xi32, #tpu.memory_space<vmem>>) semaphore(%arg7 : memref<!tpu.dma_semaphore, #tpu.memory_space<semaphore_mem>>)
    %dma_start3A_50 = arith.constant 5 : i32
    %dma_start3A_51 = arith.constant 320 : i32
    %dma_start3A_52 = arith.constant 0 : i32
    %dma_start3A_53 = tpu.memref_slice %arg6[%dma_start3A_51, %dma_start3A_52] : memref<512x128xf32, #tpu.memory_space<vmem>> -> memref<64x128xf32, #tpu.memory_space<vmem>>
    %dma_start3A_54 = arith.constant 0 : i32
    %dma_start3A_55 = tpu.memref_slice %arg5[%dma_start3A_50, %dma_start3A_54] : memref<8x64xi32, #tpu.memory_space<vmem>> -> memref<1x64xi32, #tpu.memory_space<vmem>>
    %dma_start3A_56 = tpu.memref_squeeze %dma_start3A_55 : memref<1x64xi32, #tpu.memory_space<vmem>> -> memref<64xi32, #tpu.memory_space<vmem>>
    %dma_start3A_57 = arith.constant 0 : i32
    %dma_start3A_58 = arith.constant 0 : i32
    %dma_start3A_59 = tpu.memref_slice %arg2[%dma_start3A_57, %dma_start3A_58] : memref<253952x128xf32, #tpu.memory_space<hbm>> -> memref<253952x128xf32, #tpu.memory_space<hbm>>
    tpu.enqueue_indirect_dma source(%dma_start3A_59 : memref<253952x128xf32, #tpu.memory_space<hbm>>) target(%dma_start3A_53 : memref<64x128xf32, #tpu.memory_space<vmem>>) offsets(%dma_start3A_56 : memref<64xi32, #tpu.memory_space<vmem>>) semaphore(%arg7 : memref<!tpu.dma_semaphore, #tpu.memory_space<semaphore_mem>>)
    %dma_start3A_60 = arith.constant 6 : i32
    %dma_start3A_61 = arith.constant 384 : i32
    %dma_start3A_62 = arith.constant 0 : i32
    %dma_start3A_63 = tpu.memref_slice %arg6[%dma_start3A_61, %dma_start3A_62] : memref<512x128xf32, #tpu.memory_space<vmem>> -> memref<64x128xf32, #tpu.memory_space<vmem>>
    %dma_start3A_64 = arith.constant 0 : i32
    %dma_start3A_65 = tpu.memref_slice %arg5[%dma_start3A_60, %dma_start3A_64] : memref<8x64xi32, #tpu.memory_space<vmem>> -> memref<1x64xi32, #tpu.memory_space<vmem>>
    %dma_start3A_66 = tpu.memref_squeeze %dma_start3A_65 : memref<1x64xi32, #tpu.memory_space<vmem>> -> memref<64xi32, #tpu.memory_space<vmem>>
    %dma_start3A_67 = arith.constant 0 : i32
    %dma_start3A_68 = arith.constant 0 : i32
    %dma_start3A_69 = tpu.memref_slice %arg2[%dma_start3A_67, %dma_start3A_68] : memref<253952x128xf32, #tpu.memory_space<hbm>> -> memref<253952x128xf32, #tpu.memory_space<hbm>>
    tpu.enqueue_indirect_dma source(%dma_start3A_69 : memref<253952x128xf32, #tpu.memory_space<hbm>>) target(%dma_start3A_63 : memref<64x128xf32, #tpu.memory_space<vmem>>) offsets(%dma_start3A_66 : memref<64xi32, #tpu.memory_space<vmem>>) semaphore(%arg7 : memref<!tpu.dma_semaphore, #tpu.memory_space<semaphore_mem>>)
    %dma_start3A_70 = arith.constant 7 : i32
    %dma_start3A_71 = arith.constant 448 : i32
    %dma_start3A_72 = arith.constant 0 : i32
    %dma_start3A_73 = tpu.memref_slice %arg6[%dma_start3A_71, %dma_start3A_72] : memref<512x128xf32, #tpu.memory_space<vmem>> -> memref<64x128xf32, #tpu.memory_space<vmem>>
    %dma_start3A_74 = arith.constant 0 : i32
    %dma_start3A_75 = tpu.memref_slice %arg5[%dma_start3A_70, %dma_start3A_74] : memref<8x64xi32, #tpu.memory_space<vmem>> -> memref<1x64xi32, #tpu.memory_space<vmem>>
    %dma_start3A_76 = tpu.memref_squeeze %dma_start3A_75 : memref<1x64xi32, #tpu.memory_space<vmem>> -> memref<64xi32, #tpu.memory_space<vmem>>
    %dma_start3A_77 = arith.constant 0 : i32
    %dma_start3A_78 = arith.constant 0 : i32
    %dma_start3A_79 = tpu.memref_slice %arg2[%dma_start3A_77, %dma_start3A_78] : memref<253952x128xf32, #tpu.memory_space<hbm>> -> memref<253952x128xf32, #tpu.memory_space<hbm>>
    tpu.enqueue_indirect_dma source(%dma_start3A_79 : memref<253952x128xf32, #tpu.memory_space<hbm>>) target(%dma_start3A_73 : memref<64x128xf32, #tpu.memory_space<vmem>>) offsets(%dma_start3A_76 : memref<64xi32, #tpu.memory_space<vmem>>) semaphore(%arg7 : memref<!tpu.dma_semaphore, #tpu.memory_space<semaphore_mem>>)
    %dma_wait3A = arith.constant 0 : i32
    %dma_wait3A_80 = arith.constant 0 : i32
    %dma_wait3A_81 = arith.constant 0 : i32
    %dma_wait3A_82 = tpu.memref_slice %arg6[%dma_wait3A_80, %dma_wait3A_81] : memref<512x128xf32, #tpu.memory_space<vmem>> -> memref<64x128xf32, #tpu.memory_space<vmem>>
    %dma_wait3A_83 = arith.constant 0 : i32
    %dma_wait3A_84 = tpu.memref_slice %arg5[%dma_wait3A, %dma_wait3A_83] : memref<8x64xi32, #tpu.memory_space<vmem>> -> memref<1x64xi32, #tpu.memory_space<vmem>>
    %dma_wait3A_85 = tpu.memref_squeeze %dma_wait3A_84 : memref<1x64xi32, #tpu.memory_space<vmem>> -> memref<64xi32, #tpu.memory_space<vmem>>
    %dma_wait3A_86 = arith.constant 0 : i32
    %dma_wait3A_87 = arith.constant 0 : i32
    %dma_wait3A_88 = tpu.memref_slice %arg2[%dma_wait3A_86, %dma_wait3A_87] : memref<253952x128xf32, #tpu.memory_space<hbm>> -> memref<253952x128xf32, #tpu.memory_space<hbm>>
    tpu.wait_indirect_dma semaphore(%arg7 : memref<!tpu.dma_semaphore, #tpu.memory_space<semaphore_mem>>) src(%dma_wait3A_88 : memref<253952x128xf32, #tpu.memory_space<hbm>>) dst(%dma_wait3A_82 : memref<64x128xf32, #tpu.memory_space<vmem>>)
    %mul3A_89 = arith.constant 512 : i32
    %mul3A_90 = arith.muli %add3A, %mul3A_89 : i32
    %add3A_91 = arith.constant 0 : i32
    %add3A_92 = arith.addi %mul3A_90, %add3A_91 : i32
    %dma_start3A_93 = arith.constant 0 : i32
    %dma_start3A_94 = arith.constant 0 : i32
    %dma_start3A_95 = tpu.memref_slice %arg6[%dma_start3A_93, %dma_start3A_94] : memref<512x128xf32, #tpu.memory_space<vmem>> -> memref<64x128xf32, #tpu.memory_space<vmem>>
    %dma_start3A_96 = arith.constant 0 : i32
    %dma_start3A_97 = tpu.memref_slice %arg4[%add3A_92, %dma_start3A_96] : memref<16384x128xf32, #tpu.memory_space<hbm>> -> memref<64x128xf32, #tpu.memory_space<hbm>>
    %dma_start3A_98 = arith.constant 0 : i32
    %dma_start3A_99 = tpu.memref_slice %arg4[%add3A_92, %dma_start3A_98] : memref<16384x128xf32, #tpu.memory_space<hbm>> -> memref<64x128xf32, #tpu.memory_space<hbm>>
    %dma_start3A_100 = arith.constant 0 : i32
    %dma_start3A_101 = arith.constant 0 : i32
    %dma_start3A_102 = tpu.memref_slice %arg6[%dma_start3A_100, %dma_start3A_101] : memref<512x128xf32, #tpu.memory_space<vmem>> -> memref<64x128xf32, #tpu.memory_space<vmem>>
    tpu.enqueue_dma source(%dma_start3A_102 : memref<64x128xf32, #tpu.memory_space<vmem>>) target(%dma_start3A_99 : memref<64x128xf32, #tpu.memory_space<hbm>>) target_semaphore(%arg8 : memref<!tpu.dma_semaphore, #tpu.memory_space<semaphore_mem>>)
    %dma_wait3A_103 = arith.constant 1 : i32
    %dma_wait3A_104 = arith.constant 64 : i32
    %dma_wait3A_105 = arith.constant 0 : i32
    %dma_wait3A_106 = tpu.memref_slice %arg6[%dma_wait3A_104, %dma_wait3A_105] : memref<512x128xf32, #tpu.memory_space<vmem>> -> memref<64x128xf32, #tpu.memory_space<vmem>>
    %dma_wait3A_107 = arith.constant 0 : i32
    %dma_wait3A_108 = tpu.memref_slice %arg5[%dma_wait3A_103, %dma_wait3A_107] : memref<8x64xi32, #tpu.memory_space<vmem>> -> memref<1x64xi32, #tpu.memory_space<vmem>>
    %dma_wait3A_109 = tpu.memref_squeeze %dma_wait3A_108 : memref<1x64xi32, #tpu.memory_space<vmem>> -> memref<64xi32, #tpu.memory_space<vmem>>
    %dma_wait3A_110 = arith.constant 0 : i32
    %dma_wait3A_111 = arith.constant 0 : i32
    %dma_wait3A_112 = tpu.memref_slice %arg2[%dma_wait3A_110, %dma_wait3A_111] : memref<253952x128xf32, #tpu.memory_space<hbm>> -> memref<253952x128xf32, #tpu.memory_space<hbm>>
    tpu.wait_indirect_dma semaphore(%arg7 : memref<!tpu.dma_semaphore, #tpu.memory_space<semaphore_mem>>) src(%dma_wait3A_112 : memref<253952x128xf32, #tpu.memory_space<hbm>>) dst(%dma_wait3A_106 : memref<64x128xf32, #tpu.memory_space<vmem>>)
    %mul3A_113 = arith.constant 512 : i32
    %mul3A_114 = arith.muli %add3A, %mul3A_113 : i32
    %add3A_115 = arith.constant 64 : i32
    %add3A_116 = arith.addi %mul3A_114, %add3A_115 : i32
    %dma_start3A_117 = arith.constant 64 : i32
    %dma_start3A_118 = arith.constant 0 : i32
    %dma_start3A_119 = tpu.memref_slice %arg6[%dma_start3A_117, %dma_start3A_118] : memref<512x128xf32, #tpu.memory_space<vmem>> -> memref<64x128xf32, #tpu.memory_space<vmem>>
    %dma_start3A_120 = arith.constant 0 : i32
    %dma_start3A_121 = tpu.memref_slice %arg4[%add3A_116, %dma_start3A_120] : memref<16384x128xf32, #tpu.memory_space<hbm>> -> memref<64x128xf32, #tpu.memory_space<hbm>>
    %dma_start3A_122 = arith.constant 0 : i32
    %dma_start3A_123 = tpu.memref_slice %arg4[%add3A_116, %dma_start3A_122] : memref<16384x128xf32, #tpu.memory_space<hbm>> -> memref<64x128xf32, #tpu.memory_space<hbm>>
    %dma_start3A_124 = arith.constant 64 : i32
    %dma_start3A_125 = arith.constant 0 : i32
    %dma_start3A_126 = tpu.memref_slice %arg6[%dma_start3A_124, %dma_start3A_125] : memref<512x128xf32, #tpu.memory_space<vmem>> -> memref<64x128xf32, #tpu.memory_space<vmem>>
    tpu.enqueue_dma source(%dma_start3A_126 : memref<64x128xf32, #tpu.memory_space<vmem>>) target(%dma_start3A_123 : memref<64x128xf32, #tpu.memory_space<hbm>>) target_semaphore(%arg8 : memref<!tpu.dma_semaphore, #tpu.memory_space<semaphore_mem>>)
    %dma_wait3A_127 = arith.constant 2 : i32
    %dma_wait3A_128 = arith.constant 128 : i32
    %dma_wait3A_129 = arith.constant 0 : i32
    %dma_wait3A_130 = tpu.memref_slice %arg6[%dma_wait3A_128, %dma_wait3A_129] : memref<512x128xf32, #tpu.memory_space<vmem>> -> memref<64x128xf32, #tpu.memory_space<vmem>>
    %dma_wait3A_131 = arith.constant 0 : i32
    %dma_wait3A_132 = tpu.memref_slice %arg5[%dma_wait3A_127, %dma_wait3A_131] : memref<8x64xi32, #tpu.memory_space<vmem>> -> memref<1x64xi32, #tpu.memory_space<vmem>>
    %dma_wait3A_133 = tpu.memref_squeeze %dma_wait3A_132 : memref<1x64xi32, #tpu.memory_space<vmem>> -> memref<64xi32, #tpu.memory_space<vmem>>
    %dma_wait3A_134 = arith.constant 0 : i32
    %dma_wait3A_135 = arith.constant 0 : i32
    %dma_wait3A_136 = tpu.memref_slice %arg2[%dma_wait3A_134, %dma_wait3A_135] : memref<253952x128xf32, #tpu.memory_space<hbm>> -> memref<253952x128xf32, #tpu.memory_space<hbm>>
    tpu.wait_indirect_dma semaphore(%arg7 : memref<!tpu.dma_semaphore, #tpu.memory_space<semaphore_mem>>) src(%dma_wait3A_136 : memref<253952x128xf32, #tpu.memory_space<hbm>>) dst(%dma_wait3A_130 : memref<64x128xf32, #tpu.memory_space<vmem>>)
    %mul3A_137 = arith.constant 512 : i32
    %mul3A_138 = arith.muli %add3A, %mul3A_137 : i32
    %add3A_139 = arith.constant 128 : i32
    %add3A_140 = arith.addi %mul3A_138, %add3A_139 : i32
    %dma_start3A_141 = arith.constant 128 : i32
    %dma_start3A_142 = arith.constant 0 : i32
    %dma_start3A_143 = tpu.memref_slice %arg6[%dma_start3A_141, %dma_start3A_142] : memref<512x128xf32, #tpu.memory_space<vmem>> -> memref<64x128xf32, #tpu.memory_space<vmem>>
    %dma_start3A_144 = arith.constant 0 : i32
    %dma_start3A_145 = tpu.memref_slice %arg4[%add3A_140, %dma_start3A_144] : memref<16384x128xf32, #tpu.memory_space<hbm>> -> memref<64x128xf32, #tpu.memory_space<hbm>>
    %dma_start3A_146 = arith.constant 0 : i32
    %dma_start3A_147 = tpu.memref_slice %arg4[%add3A_140, %dma_start3A_146] : memref<16384x128xf32, #tpu.memory_space<hbm>> -> memref<64x128xf32, #tpu.memory_space<hbm>>
    %dma_start3A_148 = arith.constant 128 : i32
    %dma_start3A_149 = arith.constant 0 : i32
    %dma_start3A_150 = tpu.memref_slice %arg6[%dma_start3A_148, %dma_start3A_149] : memref<512x128xf32, #tpu.memory_space<vmem>> -> memref<64x128xf32, #tpu.memory_space<vmem>>
    tpu.enqueue_dma source(%dma_start3A_150 : memref<64x128xf32, #tpu.memory_space<vmem>>) target(%dma_start3A_147 : memref<64x128xf32, #tpu.memory_space<hbm>>) target_semaphore(%arg8 : memref<!tpu.dma_semaphore, #tpu.memory_space<semaphore_mem>>)
    %dma_wait3A_151 = arith.constant 3 : i32
    %dma_wait3A_152 = arith.constant 192 : i32
    %dma_wait3A_153 = arith.constant 0 : i32
    %dma_wait3A_154 = tpu.memref_slice %arg6[%dma_wait3A_152, %dma_wait3A_153] : memref<512x128xf32, #tpu.memory_space<vmem>> -> memref<64x128xf32, #tpu.memory_space<vmem>>
    %dma_wait3A_155 = arith.constant 0 : i32
    %dma_wait3A_156 = tpu.memref_slice %arg5[%dma_wait3A_151, %dma_wait3A_155] : memref<8x64xi32, #tpu.memory_space<vmem>> -> memref<1x64xi32, #tpu.memory_space<vmem>>
    %dma_wait3A_157 = tpu.memref_squeeze %dma_wait3A_156 : memref<1x64xi32, #tpu.memory_space<vmem>> -> memref<64xi32, #tpu.memory_space<vmem>>
    %dma_wait3A_158 = arith.constant 0 : i32
    %dma_wait3A_159 = arith.constant 0 : i32
    %dma_wait3A_160 = tpu.memref_slice %arg2[%dma_wait3A_158, %dma_wait3A_159] : memref<253952x128xf32, #tpu.memory_space<hbm>> -> memref<253952x128xf32, #tpu.memory_space<hbm>>
    tpu.wait_indirect_dma semaphore(%arg7 : memref<!tpu.dma_semaphore, #tpu.memory_space<semaphore_mem>>) src(%dma_wait3A_160 : memref<253952x128xf32, #tpu.memory_space<hbm>>) dst(%dma_wait3A_154 : memref<64x128xf32, #tpu.memory_space<vmem>>)
    %mul3A_161 = arith.constant 512 : i32
    %mul3A_162 = arith.muli %add3A, %mul3A_161 : i32
    %add3A_163 = arith.constant 192 : i32
    %add3A_164 = arith.addi %mul3A_162, %add3A_163 : i32
    %dma_start3A_165 = arith.constant 192 : i32
    %dma_start3A_166 = arith.constant 0 : i32
    %dma_start3A_167 = tpu.memref_slice %arg6[%dma_start3A_165, %dma_start3A_166] : memref<512x128xf32, #tpu.memory_space<vmem>> -> memref<64x128xf32, #tpu.memory_space<vmem>>
    %dma_start3A_168 = arith.constant 0 : i32
    %dma_start3A_169 = tpu.memref_slice %arg4[%add3A_164, %dma_start3A_168] : memref<16384x128xf32, #tpu.memory_space<hbm>> -> memref<64x128xf32, #tpu.memory_space<hbm>>
    %dma_start3A_170 = arith.constant 0 : i32
    %dma_start3A_171 = tpu.memref_slice %arg4[%add3A_164, %dma_start3A_170] : memref<16384x128xf32, #tpu.memory_space<hbm>> -> memref<64x128xf32, #tpu.memory_space<hbm>>
    %dma_start3A_172 = arith.constant 192 : i32
    %dma_start3A_173 = arith.constant 0 : i32
    %dma_start3A_174 = tpu.memref_slice %arg6[%dma_start3A_172, %dma_start3A_173] : memref<512x128xf32, #tpu.memory_space<vmem>> -> memref<64x128xf32, #tpu.memory_space<vmem>>
    tpu.enqueue_dma source(%dma_start3A_174 : memref<64x128xf32, #tpu.memory_space<vmem>>) target(%dma_start3A_171 : memref<64x128xf32, #tpu.memory_space<hbm>>) target_semaphore(%arg8 : memref<!tpu.dma_semaphore, #tpu.memory_space<semaphore_mem>>)
    %dma_wait3A_175 = arith.constant 4 : i32
    %dma_wait3A_176 = arith.constant 256 : i32
    %dma_wait3A_177 = arith.constant 0 : i32
    %dma_wait3A_178 = tpu.memref_slice %arg6[%dma_wait3A_176, %dma_wait3A_177] : memref<512x128xf32, #tpu.memory_space<vmem>> -> memref<64x128xf32, #tpu.memory_space<vmem>>
    %dma_wait3A_179 = arith.constant 0 : i32
    %dma_wait3A_180 = tpu.memref_slice %arg5[%dma_wait3A_175, %dma_wait3A_179] : memref<8x64xi32, #tpu.memory_space<vmem>> -> memref<1x64xi32, #tpu.memory_space<vmem>>
    %dma_wait3A_181 = tpu.memref_squeeze %dma_wait3A_180 : memref<1x64xi32, #tpu.memory_space<vmem>> -> memref<64xi32, #tpu.memory_space<vmem>>
    %dma_wait3A_182 = arith.constant 0 : i32
    %dma_wait3A_183 = arith.constant 0 : i32
    %dma_wait3A_184 = tpu.memref_slice %arg2[%dma_wait3A_182, %dma_wait3A_183] : memref<253952x128xf32, #tpu.memory_space<hbm>> -> memref<253952x128xf32, #tpu.memory_space<hbm>>
    tpu.wait_indirect_dma semaphore(%arg7 : memref<!tpu.dma_semaphore, #tpu.memory_space<semaphore_mem>>) src(%dma_wait3A_184 : memref<253952x128xf32, #tpu.memory_space<hbm>>) dst(%dma_wait3A_178 : memref<64x128xf32, #tpu.memory_space<vmem>>)
    %mul3A_185 = arith.constant 512 : i32
    %mul3A_186 = arith.muli %add3A, %mul3A_185 : i32
    %add3A_187 = arith.constant 256 : i32
    %add3A_188 = arith.addi %mul3A_186, %add3A_187 : i32
    %dma_start3A_189 = arith.constant 256 : i32
    %dma_start3A_190 = arith.constant 0 : i32
    %dma_start3A_191 = tpu.memref_slice %arg6[%dma_start3A_189, %dma_start3A_190] : memref<512x128xf32, #tpu.memory_space<vmem>> -> memref<64x128xf32, #tpu.memory_space<vmem>>
    %dma_start3A_192 = arith.constant 0 : i32
    %dma_start3A_193 = tpu.memref_slice %arg4[%add3A_188, %dma_start3A_192] : memref<16384x128xf32, #tpu.memory_space<hbm>> -> memref<64x128xf32, #tpu.memory_space<hbm>>
    %dma_start3A_194 = arith.constant 0 : i32
    %dma_start3A_195 = tpu.memref_slice %arg4[%add3A_188, %dma_start3A_194] : memref<16384x128xf32, #tpu.memory_space<hbm>> -> memref<64x128xf32, #tpu.memory_space<hbm>>
    %dma_start3A_196 = arith.constant 256 : i32
    %dma_start3A_197 = arith.constant 0 : i32
    %dma_start3A_198 = tpu.memref_slice %arg6[%dma_start3A_196, %dma_start3A_197] : memref<512x128xf32, #tpu.memory_space<vmem>> -> memref<64x128xf32, #tpu.memory_space<vmem>>
    tpu.enqueue_dma source(%dma_start3A_198 : memref<64x128xf32, #tpu.memory_space<vmem>>) target(%dma_start3A_195 : memref<64x128xf32, #tpu.memory_space<hbm>>) target_semaphore(%arg8 : memref<!tpu.dma_semaphore, #tpu.memory_space<semaphore_mem>>)
    %dma_wait3A_199 = arith.constant 5 : i32
    %dma_wait3A_200 = arith.constant 320 : i32
    %dma_wait3A_201 = arith.constant 0 : i32
    %dma_wait3A_202 = tpu.memref_slice %arg6[%dma_wait3A_200, %dma_wait3A_201] : memref<512x128xf32, #tpu.memory_space<vmem>> -> memref<64x128xf32, #tpu.memory_space<vmem>>
    %dma_wait3A_203 = arith.constant 0 : i32
    %dma_wait3A_204 = tpu.memref_slice %arg5[%dma_wait3A_199, %dma_wait3A_203] : memref<8x64xi32, #tpu.memory_space<vmem>> -> memref<1x64xi32, #tpu.memory_space<vmem>>
    %dma_wait3A_205 = tpu.memref_squeeze %dma_wait3A_204 : memref<1x64xi32, #tpu.memory_space<vmem>> -> memref<64xi32, #tpu.memory_space<vmem>>
    %dma_wait3A_206 = arith.constant 0 : i32
    %dma_wait3A_207 = arith.constant 0 : i32
    %dma_wait3A_208 = tpu.memref_slice %arg2[%dma_wait3A_206, %dma_wait3A_207] : memref<253952x128xf32, #tpu.memory_space<hbm>> -> memref<253952x128xf32, #tpu.memory_space<hbm>>
    tpu.wait_indirect_dma semaphore(%arg7 : memref<!tpu.dma_semaphore, #tpu.memory_space<semaphore_mem>>) src(%dma_wait3A_208 : memref<253952x128xf32, #tpu.memory_space<hbm>>) dst(%dma_wait3A_202 : memref<64x128xf32, #tpu.memory_space<vmem>>)
    %mul3A_209 = arith.constant 512 : i32
    %mul3A_210 = arith.muli %add3A, %mul3A_209 : i32
    %add3A_211 = arith.constant 320 : i32
    %add3A_212 = arith.addi %mul3A_210, %add3A_211 : i32
    %dma_start3A_213 = arith.constant 320 : i32
    %dma_start3A_214 = arith.constant 0 : i32
    %dma_start3A_215 = tpu.memref_slice %arg6[%dma_start3A_213, %dma_start3A_214] : memref<512x128xf32, #tpu.memory_space<vmem>> -> memref<64x128xf32, #tpu.memory_space<vmem>>
    %dma_start3A_216 = arith.constant 0 : i32
    %dma_start3A_217 = tpu.memref_slice %arg4[%add3A_212, %dma_start3A_216] : memref<16384x128xf32, #tpu.memory_space<hbm>> -> memref<64x128xf32, #tpu.memory_space<hbm>>
    %dma_start3A_218 = arith.constant 0 : i32
    %dma_start3A_219 = tpu.memref_slice %arg4[%add3A_212, %dma_start3A_218] : memref<16384x128xf32, #tpu.memory_space<hbm>> -> memref<64x128xf32, #tpu.memory_space<hbm>>
    %dma_start3A_220 = arith.constant 320 : i32
    %dma_start3A_221 = arith.constant 0 : i32
    %dma_start3A_222 = tpu.memref_slice %arg6[%dma_start3A_220, %dma_start3A_221] : memref<512x128xf32, #tpu.memory_space<vmem>> -> memref<64x128xf32, #tpu.memory_space<vmem>>
    tpu.enqueue_dma source(%dma_start3A_222 : memref<64x128xf32, #tpu.memory_space<vmem>>) target(%dma_start3A_219 : memref<64x128xf32, #tpu.memory_space<hbm>>) target_semaphore(%arg8 : memref<!tpu.dma_semaphore, #tpu.memory_space<semaphore_mem>>)
    %dma_wait3A_223 = arith.constant 6 : i32
    %dma_wait3A_224 = arith.constant 384 : i32
    %dma_wait3A_225 = arith.constant 0 : i32
    %dma_wait3A_226 = tpu.memref_slice %arg6[%dma_wait3A_224, %dma_wait3A_225] : memref<512x128xf32, #tpu.memory_space<vmem>> -> memref<64x128xf32, #tpu.memory_space<vmem>>
    %dma_wait3A_227 = arith.constant 0 : i32
    %dma_wait3A_228 = tpu.memref_slice %arg5[%dma_wait3A_223, %dma_wait3A_227] : memref<8x64xi32, #tpu.memory_space<vmem>> -> memref<1x64xi32, #tpu.memory_space<vmem>>
    %dma_wait3A_229 = tpu.memref_squeeze %dma_wait3A_228 : memref<1x64xi32, #tpu.memory_space<vmem>> -> memref<64xi32, #tpu.memory_space<vmem>>
    %dma_wait3A_230 = arith.constant 0 : i32
    %dma_wait3A_231 = arith.constant 0 : i32
    %dma_wait3A_232 = tpu.memref_slice %arg2[%dma_wait3A_230, %dma_wait3A_231] : memref<253952x128xf32, #tpu.memory_space<hbm>> -> memref<253952x128xf32, #tpu.memory_space<hbm>>
    tpu.wait_indirect_dma semaphore(%arg7 : memref<!tpu.dma_semaphore, #tpu.memory_space<semaphore_mem>>) src(%dma_wait3A_232 : memref<253952x128xf32, #tpu.memory_space<hbm>>) dst(%dma_wait3A_226 : memref<64x128xf32, #tpu.memory_space<vmem>>)
    %mul3A_233 = arith.constant 512 : i32
    %mul3A_234 = arith.muli %add3A, %mul3A_233 : i32
    %add3A_235 = arith.constant 384 : i32
    %add3A_236 = arith.addi %mul3A_234, %add3A_235 : i32
    %dma_start3A_237 = arith.constant 384 : i32
    %dma_start3A_238 = arith.constant 0 : i32
    %dma_start3A_239 = tpu.memref_slice %arg6[%dma_start3A_237, %dma_start3A_238] : memref<512x128xf32, #tpu.memory_space<vmem>> -> memref<64x128xf32, #tpu.memory_space<vmem>>
    %dma_start3A_240 = arith.constant 0 : i32
    %dma_start3A_241 = tpu.memref_slice %arg4[%add3A_236, %dma_start3A_240] : memref<16384x128xf32, #tpu.memory_space<hbm>> -> memref<64x128xf32, #tpu.memory_space<hbm>>
    %dma_start3A_242 = arith.constant 0 : i32
    %dma_start3A_243 = tpu.memref_slice %arg4[%add3A_236, %dma_start3A_242] : memref<16384x128xf32, #tpu.memory_space<hbm>> -> memref<64x128xf32, #tpu.memory_space<hbm>>
    %dma_start3A_244 = arith.constant 384 : i32
    %dma_start3A_245 = arith.constant 0 : i32
    %dma_start3A_246 = tpu.memref_slice %arg6[%dma_start3A_244, %dma_start3A_245] : memref<512x128xf32, #tpu.memory_space<vmem>> -> memref<64x128xf32, #tpu.memory_space<vmem>>
    tpu.enqueue_dma source(%dma_start3A_246 : memref<64x128xf32, #tpu.memory_space<vmem>>) target(%dma_start3A_243 : memref<64x128xf32, #tpu.memory_space<hbm>>) target_semaphore(%arg8 : memref<!tpu.dma_semaphore, #tpu.memory_space<semaphore_mem>>)
    %dma_wait3A_247 = arith.constant 7 : i32
    %dma_wait3A_248 = arith.constant 448 : i32
    %dma_wait3A_249 = arith.constant 0 : i32
    %dma_wait3A_250 = tpu.memref_slice %arg6[%dma_wait3A_248, %dma_wait3A_249] : memref<512x128xf32, #tpu.memory_space<vmem>> -> memref<64x128xf32, #tpu.memory_space<vmem>>
    %dma_wait3A_251 = arith.constant 0 : i32
    %dma_wait3A_252 = tpu.memref_slice %arg5[%dma_wait3A_247, %dma_wait3A_251] : memref<8x64xi32, #tpu.memory_space<vmem>> -> memref<1x64xi32, #tpu.memory_space<vmem>>
    %dma_wait3A_253 = tpu.memref_squeeze %dma_wait3A_252 : memref<1x64xi32, #tpu.memory_space<vmem>> -> memref<64xi32, #tpu.memory_space<vmem>>
    %dma_wait3A_254 = arith.constant 0 : i32
    %dma_wait3A_255 = arith.constant 0 : i32
    %dma_wait3A_256 = tpu.memref_slice %arg2[%dma_wait3A_254, %dma_wait3A_255] : memref<253952x128xf32, #tpu.memory_space<hbm>> -> memref<253952x128xf32, #tpu.memory_space<hbm>>
    tpu.wait_indirect_dma semaphore(%arg7 : memref<!tpu.dma_semaphore, #tpu.memory_space<semaphore_mem>>) src(%dma_wait3A_256 : memref<253952x128xf32, #tpu.memory_space<hbm>>) dst(%dma_wait3A_250 : memref<64x128xf32, #tpu.memory_space<vmem>>)
    %mul3A_257 = arith.constant 512 : i32
    %mul3A_258 = arith.muli %add3A, %mul3A_257 : i32
    %add3A_259 = arith.constant 448 : i32
    %add3A_260 = arith.addi %mul3A_258, %add3A_259 : i32
    %dma_start3A_261 = arith.constant 448 : i32
    %dma_start3A_262 = arith.constant 0 : i32
    %dma_start3A_263 = tpu.memref_slice %arg6[%dma_start3A_261, %dma_start3A_262] : memref<512x128xf32, #tpu.memory_space<vmem>> -> memref<64x128xf32, #tpu.memory_space<vmem>>
    %dma_start3A_264 = arith.constant 0 : i32
    %dma_start3A_265 = tpu.memref_slice %arg4[%add3A_260, %dma_start3A_264] : memref<16384x128xf32, #tpu.memory_space<hbm>> -> memref<64x128xf32, #tpu.memory_space<hbm>>
    %dma_start3A_266 = arith.constant 0 : i32
    %dma_start3A_267 = tpu.memref_slice %arg4[%add3A_260, %dma_start3A_266] : memref<16384x128xf32, #tpu.memory_space<hbm>> -> memref<64x128xf32, #tpu.memory_space<hbm>>
    %dma_start3A_268 = arith.constant 448 : i32
    %dma_start3A_269 = arith.constant 0 : i32
    %dma_start3A_270 = tpu.memref_slice %arg6[%dma_start3A_268, %dma_start3A_269] : memref<512x128xf32, #tpu.memory_space<vmem>> -> memref<64x128xf32, #tpu.memory_space<vmem>>
    tpu.enqueue_dma source(%dma_start3A_270 : memref<64x128xf32, #tpu.memory_space<vmem>>) target(%dma_start3A_267 : memref<64x128xf32, #tpu.memory_space<hbm>>) target_semaphore(%arg8 : memref<!tpu.dma_semaphore, #tpu.memory_space<semaphore_mem>>)
    %dma_wait3A_271 = arith.constant 0 : i32
    %dma_wait3A_272 = arith.constant 0 : i32
    %dma_wait3A_273 = tpu.memref_slice %arg6[%dma_wait3A_271, %dma_wait3A_272] : memref<512x128xf32, #tpu.memory_space<vmem>> -> memref<64x128xf32, #tpu.memory_space<vmem>>
    %dma_wait3A_274 = arith.constant 0 : i32
    %dma_wait3A_275 = tpu.memref_slice %arg4[%add3A_92, %dma_wait3A_274] : memref<16384x128xf32, #tpu.memory_space<hbm>> -> memref<64x128xf32, #tpu.memory_space<hbm>>
    %dma_wait3A_276 = arith.constant 0 : i32
    %dma_wait3A_277 = tpu.memref_slice %arg4[%add3A_92, %dma_wait3A_276] : memref<16384x128xf32, #tpu.memory_space<hbm>> -> memref<64x128xf32, #tpu.memory_space<hbm>>
    %dma_wait3A_278 = arith.constant 0 : i32
    %dma_wait3A_279 = arith.constant 0 : i32
    %dma_wait3A_280 = tpu.memref_slice %arg6[%dma_wait3A_278, %dma_wait3A_279] : memref<512x128xf32, #tpu.memory_space<vmem>> -> memref<64x128xf32, #tpu.memory_space<vmem>>
    tpu.wait_dma2 semaphore(%arg8 : memref<!tpu.dma_semaphore, #tpu.memory_space<semaphore_mem>>) src(%dma_wait3A_280 : memref<64x128xf32, #tpu.memory_space<vmem>>) dst(%dma_wait3A_277 : memref<64x128xf32, #tpu.memory_space<hbm>>)
    %dma_wait3A_281 = arith.constant 64 : i32
    %dma_wait3A_282 = arith.constant 0 : i32
    %dma_wait3A_283 = tpu.memref_slice %arg6[%dma_wait3A_281, %dma_wait3A_282] : memref<512x128xf32, #tpu.memory_space<vmem>> -> memref<64x128xf32, #tpu.memory_space<vmem>>
    %dma_wait3A_284 = arith.constant 0 : i32
    %dma_wait3A_285 = tpu.memref_slice %arg4[%add3A_116, %dma_wait3A_284] : memref<16384x128xf32, #tpu.memory_space<hbm>> -> memref<64x128xf32, #tpu.memory_space<hbm>>
    %dma_wait3A_286 = arith.constant 0 : i32
    %dma_wait3A_287 = tpu.memref_slice %arg4[%add3A_116, %dma_wait3A_286] : memref<16384x128xf32, #tpu.memory_space<hbm>> -> memref<64x128xf32, #tpu.memory_space<hbm>>
    %dma_wait3A_288 = arith.constant 64 : i32
    %dma_wait3A_289 = arith.constant 0 : i32
    %dma_wait3A_290 = tpu.memref_slice %arg6[%dma_wait3A_288, %dma_wait3A_289] : memref<512x128xf32, #tpu.memory_space<vmem>> -> memref<64x128xf32, #tpu.memory_space<vmem>>
    tpu.wait_dma2 semaphore(%arg8 : memref<!tpu.dma_semaphore, #tpu.memory_space<semaphore_mem>>) src(%dma_wait3A_290 : memref<64x128xf32, #tpu.memory_space<vmem>>) dst(%dma_wait3A_287 : memref<64x128xf32, #tpu.memory_space<hbm>>)
    %dma_wait3A_291 = arith.constant 128 : i32
    %dma_wait3A_292 = arith.constant 0 : i32
    %dma_wait3A_293 = tpu.memref_slice %arg6[%dma_wait3A_291, %dma_wait3A_292] : memref<512x128xf32, #tpu.memory_space<vmem>> -> memref<64x128xf32, #tpu.memory_space<vmem>>
    %dma_wait3A_294 = arith.constant 0 : i32
    %dma_wait3A_295 = tpu.memref_slice %arg4[%add3A_140, %dma_wait3A_294] : memref<16384x128xf32, #tpu.memory_space<hbm>> -> memref<64x128xf32, #tpu.memory_space<hbm>>
    %dma_wait3A_296 = arith.constant 0 : i32
    %dma_wait3A_297 = tpu.memref_slice %arg4[%add3A_140, %dma_wait3A_296] : memref<16384x128xf32, #tpu.memory_space<hbm>> -> memref<64x128xf32, #tpu.memory_space<hbm>>
    %dma_wait3A_298 = arith.constant 128 : i32
    %dma_wait3A_299 = arith.constant 0 : i32
    %dma_wait3A_300 = tpu.memref_slice %arg6[%dma_wait3A_298, %dma_wait3A_299] : memref<512x128xf32, #tpu.memory_space<vmem>> -> memref<64x128xf32, #tpu.memory_space<vmem>>
    tpu.wait_dma2 semaphore(%arg8 : memref<!tpu.dma_semaphore, #tpu.memory_space<semaphore_mem>>) src(%dma_wait3A_300 : memref<64x128xf32, #tpu.memory_space<vmem>>) dst(%dma_wait3A_297 : memref<64x128xf32, #tpu.memory_space<hbm>>)
    %dma_wait3A_301 = arith.constant 192 : i32
    %dma_wait3A_302 = arith.constant 0 : i32
    %dma_wait3A_303 = tpu.memref_slice %arg6[%dma_wait3A_301, %dma_wait3A_302] : memref<512x128xf32, #tpu.memory_space<vmem>> -> memref<64x128xf32, #tpu.memory_space<vmem>>
    %dma_wait3A_304 = arith.constant 0 : i32
    %dma_wait3A_305 = tpu.memref_slice %arg4[%add3A_164, %dma_wait3A_304] : memref<16384x128xf32, #tpu.memory_space<hbm>> -> memref<64x128xf32, #tpu.memory_space<hbm>>
    %dma_wait3A_306 = arith.constant 0 : i32
    %dma_wait3A_307 = tpu.memref_slice %arg4[%add3A_164, %dma_wait3A_306] : memref<16384x128xf32, #tpu.memory_space<hbm>> -> memref<64x128xf32, #tpu.memory_space<hbm>>
    %dma_wait3A_308 = arith.constant 192 : i32
    %dma_wait3A_309 = arith.constant 0 : i32
    %dma_wait3A_310 = tpu.memref_slice %arg6[%dma_wait3A_308, %dma_wait3A_309] : memref<512x128xf32, #tpu.memory_space<vmem>> -> memref<64x128xf32, #tpu.memory_space<vmem>>
    tpu.wait_dma2 semaphore(%arg8 : memref<!tpu.dma_semaphore, #tpu.memory_space<semaphore_mem>>) src(%dma_wait3A_310 : memref<64x128xf32, #tpu.memory_space<vmem>>) dst(%dma_wait3A_307 : memref<64x128xf32, #tpu.memory_space<hbm>>)
    %dma_wait3A_311 = arith.constant 256 : i32
    %dma_wait3A_312 = arith.constant 0 : i32
    %dma_wait3A_313 = tpu.memref_slice %arg6[%dma_wait3A_311, %dma_wait3A_312] : memref<512x128xf32, #tpu.memory_space<vmem>> -> memref<64x128xf32, #tpu.memory_space<vmem>>
    %dma_wait3A_314 = arith.constant 0 : i32
    %dma_wait3A_315 = tpu.memref_slice %arg4[%add3A_188, %dma_wait3A_314] : memref<16384x128xf32, #tpu.memory_space<hbm>> -> memref<64x128xf32, #tpu.memory_space<hbm>>
    %dma_wait3A_316 = arith.constant 0 : i32
    %dma_wait3A_317 = tpu.memref_slice %arg4[%add3A_188, %dma_wait3A_316] : memref<16384x128xf32, #tpu.memory_space<hbm>> -> memref<64x128xf32, #tpu.memory_space<hbm>>
    %dma_wait3A_318 = arith.constant 256 : i32
    %dma_wait3A_319 = arith.constant 0 : i32
    %dma_wait3A_320 = tpu.memref_slice %arg6[%dma_wait3A_318, %dma_wait3A_319] : memref<512x128xf32, #tpu.memory_space<vmem>> -> memref<64x128xf32, #tpu.memory_space<vmem>>
    tpu.wait_dma2 semaphore(%arg8 : memref<!tpu.dma_semaphore, #tpu.memory_space<semaphore_mem>>) src(%dma_wait3A_320 : memref<64x128xf32, #tpu.memory_space<vmem>>) dst(%dma_wait3A_317 : memref<64x128xf32, #tpu.memory_space<hbm>>)
    %dma_wait3A_321 = arith.constant 320 : i32
    %dma_wait3A_322 = arith.constant 0 : i32
    %dma_wait3A_323 = tpu.memref_slice %arg6[%dma_wait3A_321, %dma_wait3A_322] : memref<512x128xf32, #tpu.memory_space<vmem>> -> memref<64x128xf32, #tpu.memory_space<vmem>>
    %dma_wait3A_324 = arith.constant 0 : i32
    %dma_wait3A_325 = tpu.memref_slice %arg4[%add3A_212, %dma_wait3A_324] : memref<16384x128xf32, #tpu.memory_space<hbm>> -> memref<64x128xf32, #tpu.memory_space<hbm>>
    %dma_wait3A_326 = arith.constant 0 : i32
    %dma_wait3A_327 = tpu.memref_slice %arg4[%add3A_212, %dma_wait3A_326] : memref<16384x128xf32, #tpu.memory_space<hbm>> -> memref<64x128xf32, #tpu.memory_space<hbm>>
    %dma_wait3A_328 = arith.constant 320 : i32
    %dma_wait3A_329 = arith.constant 0 : i32
    %dma_wait3A_330 = tpu.memref_slice %arg6[%dma_wait3A_328, %dma_wait3A_329] : memref<512x128xf32, #tpu.memory_space<vmem>> -> memref<64x128xf32, #tpu.memory_space<vmem>>
    tpu.wait_dma2 semaphore(%arg8 : memref<!tpu.dma_semaphore, #tpu.memory_space<semaphore_mem>>) src(%dma_wait3A_330 : memref<64x128xf32, #tpu.memory_space<vmem>>) dst(%dma_wait3A_327 : memref<64x128xf32, #tpu.memory_space<hbm>>)
    %dma_wait3A_331 = arith.constant 384 : i32
    %dma_wait3A_332 = arith.constant 0 : i32
    %dma_wait3A_333 = tpu.memref_slice %arg6[%dma_wait3A_331, %dma_wait3A_332] : memref<512x128xf32, #tpu.memory_space<vmem>> -> memref<64x128xf32, #tpu.memory_space<vmem>>
    %dma_wait3A_334 = arith.constant 0 : i32
    %dma_wait3A_335 = tpu.memref_slice %arg4[%add3A_236, %dma_wait3A_334] : memref<16384x128xf32, #tpu.memory_space<hbm>> -> memref<64x128xf32, #tpu.memory_space<hbm>>
    %dma_wait3A_336 = arith.constant 0 : i32
    %dma_wait3A_337 = tpu.memref_slice %arg4[%add3A_236, %dma_wait3A_336] : memref<16384x128xf32, #tpu.memory_space<hbm>> -> memref<64x128xf32, #tpu.memory_space<hbm>>
    %dma_wait3A_338 = arith.constant 384 : i32
    %dma_wait3A_339 = arith.constant 0 : i32
    %dma_wait3A_340 = tpu.memref_slice %arg6[%dma_wait3A_338, %dma_wait3A_339] : memref<512x128xf32, #tpu.memory_space<vmem>> -> memref<64x128xf32, #tpu.memory_space<vmem>>
    tpu.wait_dma2 semaphore(%arg8 : memref<!tpu.dma_semaphore, #tpu.memory_space<semaphore_mem>>) src(%dma_wait3A_340 : memref<64x128xf32, #tpu.memory_space<vmem>>) dst(%dma_wait3A_337 : memref<64x128xf32, #tpu.memory_space<hbm>>)
    %dma_wait3A_341 = arith.constant 448 : i32
    %dma_wait3A_342 = arith.constant 0 : i32
    %dma_wait3A_343 = tpu.memref_slice %arg6[%dma_wait3A_341, %dma_wait3A_342] : memref<512x128xf32, #tpu.memory_space<vmem>> -> memref<64x128xf32, #tpu.memory_space<vmem>>
    %dma_wait3A_344 = arith.constant 0 : i32
    %dma_wait3A_345 = tpu.memref_slice %arg4[%add3A_260, %dma_wait3A_344] : memref<16384x128xf32, #tpu.memory_space<hbm>> -> memref<64x128xf32, #tpu.memory_space<hbm>>
    %dma_wait3A_346 = arith.constant 0 : i32
    %dma_wait3A_347 = tpu.memref_slice %arg4[%add3A_260, %dma_wait3A_346] : memref<16384x128xf32, #tpu.memory_space<hbm>> -> memref<64x128xf32, #tpu.memory_space<hbm>>
    %dma_wait3A_348 = arith.constant 448 : i32
    %dma_wait3A_349 = arith.constant 0 : i32
    %dma_wait3A_350 = tpu.memref_slice %arg6[%dma_wait3A_348, %dma_wait3A_349] : memref<512x128xf32, #tpu.memory_space<vmem>> -> memref<64x128xf32, #tpu.memory_space<vmem>>
    tpu.wait_dma2 semaphore(%arg8 : memref<!tpu.dma_semaphore, #tpu.memory_space<semaphore_mem>>) src(%dma_wait3A_350 : memref<64x128xf32, #tpu.memory_space<vmem>>) dst(%dma_wait3A_347 : memref<64x128xf32, #tpu.memory_space<hbm>>)
    return
  }
}

module attributes {stable_mosaic.version = 14 : i64} {
  func.func @_repack_body(%arg0: i32, %arg1: memref<64x8192xf32, #tpu.memory_space<vmem>>, %arg2: memref<64x8192xf32, #tpu.memory_space<vmem>>, %arg3: memref<64x8192xf32, #tpu.memory_space<vmem>>, %arg4: memref<64x8192xf32, #tpu.memory_space<vmem>>, %arg5: memref<8192x128xf32, #tpu.memory_space<vmem>>) attributes {dimension_semantics = [#tpu.dimension_semantics<parallel>], iteration_bounds = array<i64: 31>, scalar_prefetch = 0 : i64, scratch_operands = 0 : i64, tpu.core_type = #tpu.core_type<tc>, window_params = [{transform_indices = @transform_0, window_bounds = array<i64: 64, 8192>}, {transform_indices = @transform_1, window_bounds = array<i64: 64, 8192>}, {transform_indices = @transform_2, window_bounds = array<i64: 64, 8192>}, {transform_indices = @transform_3, window_bounds = array<i64: 64, 8192>}, {transform_indices = @transform_4, window_bounds = array<i64: 8192, 128>}]} {
    %iota3A = tpu.iota {dimensions = array<i32: 0>} : vector<256x256xi32>
    %iota3A_0 = tpu.iota {dimensions = array<i32: 1>} : vector<256x256xi32>
    %and3A = arith.constant 127 : i32
    %and3A_1 = vector.broadcast %and3A : i32 to vector<256x256xi32>
    %and3A_2 = arith.andi %iota3A_0, %and3A_1 : vector<256x256xi32>
    %shift_right_arithmetic3A = arith.constant 5 : i32
    %shift_right_arithmetic3A_3 = vector.broadcast %shift_right_arithmetic3A : i32 to vector<256x256xi32>
    %shift_right_arithmetic3A_4 = arith.shrsi %and3A_2, %shift_right_arithmetic3A_3 : vector<256x256xi32>
    %shift_left3A = arith.constant 6 : i32
    %shift_left3A_5 = vector.broadcast %shift_left3A : i32 to vector<256x256xi32>
    %shift_left3A_6 = arith.shli %shift_right_arithmetic3A_4, %shift_left3A_5 : vector<256x256xi32>
    %and3A_7 = arith.constant 31 : i32
    %and3A_8 = vector.broadcast %and3A_7 : i32 to vector<256x256xi32>
    %and3A_9 = arith.andi %and3A_2, %and3A_8 : vector<256x256xi32>
    %shift_left3A_10 = arith.constant 1 : i32
    %shift_left3A_11 = vector.broadcast %shift_left3A_10 : i32 to vector<256x256xi32>
    %shift_left3A_12 = arith.shli %and3A_9, %shift_left3A_11 : vector<256x256xi32>
    %add3A = arith.addi %shift_left3A_6, %shift_left3A_12 : vector<256x256xi32>
    %shift_right_arithmetic3A_13 = arith.constant 7 : i32
    %shift_right_arithmetic3A_14 = vector.broadcast %shift_right_arithmetic3A_13 : i32 to vector<256x256xi32>
    %shift_right_arithmetic3A_15 = arith.shrsi %iota3A_0, %shift_right_arithmetic3A_14 : vector<256x256xi32>
    %add3A_16 = arith.addi %add3A, %shift_right_arithmetic3A_15 : vector<256x256xi32>
    %eq3A = arith.cmpi eq, %iota3A, %add3A_16 : vector<256x256xi32>
    %convert_element_type3A = arith.extui %eq3A : vector<256x256xi1> to vector<256x256xi32>
    %convert_element_type3A_17 = arith.sitofp %convert_element_type3A : vector<256x256xi32> to vector<256x256xf32>
    %mul3A = arith.constant 1.000000e+00 : f32
    %mul3A_18 = vector.broadcast %mul3A : f32 to vector<256x256xf32>
    %mul3A_19 = arith.mulf %mul3A_18, %convert_element_type3A_17 : vector<256x256xf32>
    %get3A = arith.constant 0 : index
    %get3A_20 = arith.constant 0 : index
    %get3A_21 = vector.load %arg1[%get3A, %get3A_20] : memref<64x8192xf32, #tpu.memory_space<vmem>>, vector<64x8192xf32>
    %get3A_22 = arith.constant 0 : index
    %get3A_23 = arith.constant 0 : index
    %get3A_24 = vector.load %arg2[%get3A_22, %get3A_23] : memref<64x8192xf32, #tpu.memory_space<vmem>>, vector<64x8192xf32>
    %get3A_25 = arith.constant 0 : index
    %get3A_26 = arith.constant 0 : index
    %get3A_27 = vector.load %arg3[%get3A_25, %get3A_26] : memref<64x8192xf32, #tpu.memory_space<vmem>>, vector<64x8192xf32>
    %get3A_28 = arith.constant 0 : index
    %get3A_29 = arith.constant 0 : index
    %get3A_30 = vector.load %arg4[%get3A_28, %get3A_29] : memref<64x8192xf32, #tpu.memory_space<vmem>>, vector<64x8192xf32>
    %concatenate3A = tpu.concatenate %get3A_21, %get3A_24, %get3A_27, %get3A_30 in 0 : vector<64x8192xf32>, vector<64x8192xf32>, vector<64x8192xf32>, vector<64x8192xf32> -> vector<256x8192xf32>
    %dot_general3A = arith.constant dense<0.000000e+00> : vector<8192x256xf32>
    %dot_general3A_31 = tpu.matmul %concatenate3A, %mul3A_19, %dot_general3A {dimension_numbers = #tpu.dot_dimension_numbers<[0], [0], [1], [1], [0, 1, 1, 1], [], []>, transpose_lhs_hint = false} : vector<256x8192xf32>, vector<256x256xf32>, vector<8192x256xf32> -> vector<8192x256xf32>
    %slice3A = vector.extract_strided_slice %dot_general3A_31 {offsets = [0, 0], sizes = [8192, 128], strides = [1, 1]} : vector<8192x256xf32> to vector<8192x128xf32>
    %convert_element_type3A_32 = arith.truncf %slice3A : vector<8192x128xf32> to vector<8192x128xbf16>
    %bitcast_convert_type3A = tpu.bitcast %convert_element_type3A_32 : vector<8192x128xbf16> -> vector<8192x128xi16>
    %convert_element_type3A_33 = arith.extui %bitcast_convert_type3A : vector<8192x128xi16> to vector<8192x128xi32>
    %slice3A_34 = vector.extract_strided_slice %dot_general3A_31 {offsets = [0, 128], sizes = [8192, 128], strides = [1, 1]} : vector<8192x256xf32> to vector<8192x128xf32>
    %convert_element_type3A_35 = arith.truncf %slice3A_34 : vector<8192x128xf32> to vector<8192x128xbf16>
    %bitcast_convert_type3A_36 = tpu.bitcast %convert_element_type3A_35 : vector<8192x128xbf16> -> vector<8192x128xi16>
    %convert_element_type3A_37 = arith.extui %bitcast_convert_type3A_36 : vector<8192x128xi16> to vector<8192x128xi32>
    %shift_left3A_38 = arith.constant 16 : i32
    %shift_left3A_39 = vector.broadcast %shift_left3A_38 : i32 to vector<8192x128xi32>
    %shift_left3A_40 = arith.shli %convert_element_type3A_37, %shift_left3A_39 : vector<8192x128xi32>
    %or3A = arith.ori %convert_element_type3A_33, %shift_left3A_40 : vector<8192x128xi32>
    %bitcast_convert_type3A_41 = tpu.bitcast %or3A : vector<8192x128xi32> -> vector<8192x128xf32>
    %swap3A = arith.constant 0 : index
    %swap3A_42 = arith.constant 0 : index
    %swap3A_43 = vector.load %arg5[%swap3A, %swap3A_42] : memref<8192x128xf32, #tpu.memory_space<vmem>>, vector<8192x128xf32>
    tpu.vector_store %arg5[%swap3A, %swap3A_42], %bitcast_convert_type3A_41 {strides = array<i32>} : memref<8192x128xf32, #tpu.memory_space<vmem>>, vector<8192x128xf32>,
    return
  }
  func.func @transform_0(%arg0: i32) -> (i32, i32) {
    %mul3A = arith.constant 4 : i32
    %mul3A_0 = arith.muli %mul3A, %arg0 : i32
    %add3A = arith.constant 0 : i32
    %add3A_1 = arith.addi %mul3A_0, %add3A : i32
    %min3A = arith.constant 122 : i32
    %min3A_2 = arith.minsi %add3A_1, %min3A : i32
    %c0_i32 = arith.constant 0 : i32
    %c0_i32_3 = arith.constant 0 : i32
    return %c0_i32, %min3A_2 : i32, i32
  }
  func.func @transform_1(%arg0: i32) -> (i32, i32) {
    %mul3A = arith.constant 4 : i32
    %mul3A_0 = arith.muli %mul3A, %arg0 : i32
    %add3A = arith.constant 1 : i32
    %add3A_1 = arith.addi %mul3A_0, %add3A : i32
    %min3A = arith.constant 122 : i32
    %min3A_2 = arith.minsi %add3A_1, %min3A : i32
    %c0_i32 = arith.constant 0 : i32
    %c0_i32_3 = arith.constant 0 : i32
    return %c0_i32, %min3A_2 : i32, i32
  }
  func.func @transform_2(%arg0: i32) -> (i32, i32) {
    %mul3A = arith.constant 4 : i32
    %mul3A_0 = arith.muli %mul3A, %arg0 : i32
    %add3A = arith.constant 2 : i32
    %add3A_1 = arith.addi %mul3A_0, %add3A : i32
    %min3A = arith.constant 122 : i32
    %min3A_2 = arith.minsi %add3A_1, %min3A : i32
    %c0_i32 = arith.constant 0 : i32
    %c0_i32_3 = arith.constant 0 : i32
    return %c0_i32, %min3A_2 : i32, i32
  }
  func.func @transform_3(%arg0: i32) -> (i32, i32) {
    %mul3A = arith.constant 4 : i32
    %mul3A_0 = arith.muli %mul3A, %arg0 : i32
    %add3A = arith.constant 3 : i32
    %add3A_1 = arith.addi %mul3A_0, %add3A : i32
    %min3A = arith.constant 122 : i32
    %min3A_2 = arith.minsi %add3A_1, %min3A : i32
    %c0_i32 = arith.constant 0 : i32
    %c0_i32_3 = arith.constant 0 : i32
    return %c0_i32, %min3A_2 : i32, i32
  }
  func.func @transform_4(%arg0: i32) -> (i32, i32) {
    %c0_i32 = arith.constant 0 : i32
    %c0_i32_0 = arith.constant 0 : i32
    return %arg0, %c0_i32 : i32, i32
  }
}

module attributes {stable_mosaic.version = 14 : i64} {
  func.func @_mlp_body(%arg0: i32, %arg1: memref<4096x128xf32, #tpu.memory_space<vmem>>, %arg2: memref<32x4096xf32, #tpu.memory_space<vmem>>, %arg3: memref<4096xf32, #tpu.memory_space<vmem>>, %arg4: memref<96x64xf32, #tpu.memory_space<vmem>>, %arg5: memref<64xf32, #tpu.memory_space<vmem>>, %arg6: memref<64x1xf32, #tpu.memory_space<vmem>>, %arg7: memref<1xf32, #tpu.memory_space<vmem>>, %arg8: memref<4096xf32, #tpu.memory_space<vmem>>) attributes {dimension_semantics = [#tpu.dimension_semantics<parallel>], iteration_bounds = array<i64: 4>, scalar_prefetch = 0 : i64, scratch_operands = 0 : i64, tpu.core_type = #tpu.core_type<tc>, window_params = [{transform_indices = @transform_0, window_bounds = array<i64: 4096, 128>}, {transform_indices = @transform_1, window_bounds = array<i64: 32, 4096>}, {transform_indices = @transform_2, window_bounds = array<i64: 4096>}, {pipeline_mode = #tpu.pipeline_mode<synchronous>, transform_indices = @transform_3, window_bounds = array<i64: 96, 64>}, {pipeline_mode = #tpu.pipeline_mode<synchronous>, transform_indices = @transform_4, window_bounds = array<i64: 64>}, {pipeline_mode = #tpu.pipeline_mode<synchronous>, transform_indices = @transform_5, window_bounds = array<i64: 64, 1>}, {pipeline_mode = #tpu.pipeline_mode<synchronous>, transform_indices = @transform_6, window_bounds = array<i64: 1>}, {transform_indices = @transform_7, window_bounds = array<i64: 4096>}]} {
    %get3A = arith.constant 0 : index
    %get3A_0 = arith.constant 0 : index
    %get3A_1 = vector.load %arg4[%get3A, %get3A_0] : memref<96x64xf32, #tpu.memory_space<vmem>>, vector<32x64xf32>
    %get3A_2 = arith.constant 32 : index
    %get3A_3 = arith.constant 0 : index
    %get3A_4 = vector.load %arg4[%get3A_2, %get3A_3] : memref<96x64xf32, #tpu.memory_space<vmem>>, vector<32x64xf32>
    %get3A_5 = arith.constant 64 : index
    %get3A_6 = arith.constant 0 : index
    %get3A_7 = vector.load %arg4[%get3A_5, %get3A_6] : memref<96x64xf32, #tpu.memory_space<vmem>>, vector<32x64xf32>
    %concatenate3A = tpu.concatenate %get3A_1, %get3A_1, %get3A_1, %get3A_1 in 0 : vector<32x64xf32>, vector<32x64xf32>, vector<32x64xf32>, vector<32x64xf32> -> vector<128x64xf32>
    %concatenate3A_8 = tpu.concatenate %get3A_4, %get3A_4, %get3A_4, %get3A_4 in 0 : vector<32x64xf32>, vector<32x64xf32>, vector<32x64xf32>, vector<32x64xf32> -> vector<128x64xf32>
    %get3A_9 = arith.constant 0 : index
    %get3A_10 = arith.constant 0 : index
    %get3A_11 = vector.load %arg1[%get3A_9, %get3A_10] : memref<4096x128xf32, #tpu.memory_space<vmem>>, vector<4096x128xf32>
    %bitcast_convert_type3A = tpu.bitcast %get3A_11 : vector<4096x128xf32> -> vector<4096x128xi32>
    %and3A = arith.constant 65535 : i32
    %and3A_12 = vector.broadcast %and3A : i32 to vector<4096x128xi32>
    %and3A_13 = arith.andi %bitcast_convert_type3A, %and3A_12 : vector<4096x128xi32>
    %convert_element_type3A = arith.trunci %and3A_13 : vector<4096x128xi32> to vector<4096x128xi16>
    %bitcast_convert_type3A_14 = tpu.bitcast %convert_element_type3A : vector<4096x128xi16> -> vector<4096x128xbf16>
    %shift_right_logical3A = arith.constant 16 : i32
    %shift_right_logical3A_15 = vector.broadcast %shift_right_logical3A : i32 to vector<4096x128xi32>
    %shift_right_logical3A_16 = arith.shrui %bitcast_convert_type3A, %shift_right_logical3A_15 : vector<4096x128xi32>
    %convert_element_type3A_17 = arith.trunci %shift_right_logical3A_16 : vector<4096x128xi32> to vector<4096x128xi16>
    %bitcast_convert_type3A_18 = tpu.bitcast %convert_element_type3A_17 : vector<4096x128xi16> -> vector<4096x128xbf16>
    %iota3A = tpu.iota {dimensions = array<i32: 1>} : vector<1x128xi32>
    %shift_right_arithmetic3A = arith.constant 5 : i32
    %shift_right_arithmetic3A_19 = vector.broadcast %shift_right_arithmetic3A : i32 to vector<1x128xi32>
    %shift_right_arithmetic3A_20 = arith.shrsi %iota3A, %shift_right_arithmetic3A_19 : vector<1x128xi32>
    %convert_element_type3A_21 = arith.sitofp %shift_right_arithmetic3A_20 : vector<1x128xi32> to vector<1x128xf32>
    %get3A_22 = arith.constant 0 : index
    %get3A_23 = vector.load %arg3[%get3A_22] : memref<4096xf32, #tpu.memory_space<vmem>>, vector<4096xf32>
    %reshape3A = vector.shape_cast %get3A_23 : vector<4096xf32> to vector<4096x1xf32>
    %eq3A = vector.broadcast %convert_element_type3A_21 : vector<1x128xf32> to vector<4096x128xf32>
    %eq3A_24 = vector.broadcast %reshape3A : vector<4096x1xf32> to vector<4096x128xf32>
    %eq3A_25 = arith.cmpf oeq, %eq3A, %eq3A_24 : vector<4096x128xf32>
    %convert_element_type3A_26 = arith.extui %eq3A_25 : vector<4096x128xi1> to vector<4096x128xi32>
    %convert_element_type3A_27 = arith.sitofp %convert_element_type3A_26 : vector<4096x128xi32> to vector<4096x128xf32>
    %mul3A = arith.constant 1.000000e+00 : f32
    %mul3A_28 = vector.broadcast %mul3A : f32 to vector<4096x128xf32>
    %mul3A_29 = arith.mulf %mul3A_28, %convert_element_type3A_27 : vector<4096x128xf32>
    %convert_element_type3A_30 = arith.truncf %mul3A_29 : vector<4096x128xf32> to vector<4096x128xbf16>
    %mul3A_31 = arith.mulf %bitcast_convert_type3A_14, %convert_element_type3A_30 : vector<4096x128xbf16>
    %convert_element_type3A_32 = arith.truncf %concatenate3A : vector<128x64xf32> to vector<128x64xbf16>
    %dot_general3A = arith.constant dense<0.000000e+00> : vector<4096x64xf32>
    %dot_general3A_33 = tpu.matmul %mul3A_31, %convert_element_type3A_32, %dot_general3A {dimension_numbers = #tpu.dot_dimension_numbers<[1], [0], [0], [1], [0, 0, 1, 1], [], []>, transpose_lhs_hint = false} : vector<4096x128xbf16>, vector<128x64xbf16>, vector<4096x64xf32> -> vector<4096x64xf32>
    %mul3A_34 = arith.mulf %bitcast_convert_type3A_18, %convert_element_type3A_30 : vector<4096x128xbf16>
    %convert_element_type3A_35 = arith.truncf %concatenate3A_8 : vector<128x64xf32> to vector<128x64xbf16>
    %dot_general3A_36 = arith.constant dense<0.000000e+00> : vector<4096x64xf32>
    %dot_general3A_37 = tpu.matmul %mul3A_34, %convert_element_type3A_35, %dot_general3A_36 {dimension_numbers = #tpu.dot_dimension_numbers<[1], [0], [0], [1], [0, 0, 1, 1], [], []>, transpose_lhs_hint = false} : vector<4096x128xbf16>, vector<128x64xbf16>, vector<4096x64xf32> -> vector<4096x64xf32>
    %add3A = arith.addf %dot_general3A_33, %dot_general3A_37 : vector<4096x64xf32>
    %get3A_38 = arith.constant 0 : index
    %get3A_39 = arith.constant 0 : index
    %get3A_40 = vector.load %arg2[%get3A_38, %get3A_39] : memref<32x4096xf32, #tpu.memory_space<vmem>>, vector<32x4096xf32>
    %dot_general3A_41 = arith.constant dense<0.000000e+00> : vector<4096x64xf32>
    %dot_general3A_42 = tpu.matmul %get3A_40, %get3A_7, %dot_general3A_41 {dimension_numbers = #tpu.dot_dimension_numbers<[0], [0], [1], [1], [0, 1, 1, 1], [], []>, transpose_lhs_hint = false} : vector<32x4096xf32>, vector<32x64xf32>, vector<4096x64xf32> -> vector<4096x64xf32>
    %add3A_43 = arith.addf %add3A, %dot_general3A_42 : vector<4096x64xf32>
    %get3A_44 = arith.constant 0 : index
    %get3A_45 = vector.load %arg5[%get3A_44] : memref<64xf32, #tpu.memory_space<vmem>>, vector<64xf32>
    %reshape3A_46 = vector.shape_cast %get3A_45 : vector<64xf32> to vector<1x64xf32>
    %add3A_47 = vector.broadcast %reshape3A_46 : vector<1x64xf32> to vector<4096x64xf32>
    %add3A_48 = arith.addf %add3A_43, %add3A_47 : vector<4096x64xf32>
    %max3A = arith.constant 0.000000e+00 : f32
    %max3A_49 = vector.broadcast %max3A : f32 to vector<4096x64xf32>
    %max3A_50 = arith.maximumf %add3A_48, %max3A_49 : vector<4096x64xf32>
    %get3A_51 = arith.constant 0 : index
    %get3A_52 = arith.constant 0 : index
    %get3A_53 = vector.load %arg6[%get3A_51, %get3A_52] : memref<64x1xf32, #tpu.memory_space<vmem>>, vector<64x1xf32>
    %dot_general3A_54 = arith.constant dense<0.000000e+00> : vector<4096x1xf32>
    %dot_general3A_55 = tpu.matmul %max3A_50, %get3A_53, %dot_general3A_54 {dimension_numbers = #tpu.dot_dimension_numbers<[1], [0], [0], [1], [0, 0, 1, 1], [], []>, transpose_lhs_hint = false} : vector<4096x64xf32>, vector<64x1xf32>, vector<4096x1xf32> -> vector<4096x1xf32>
    %get3A_56 = arith.constant 0 : index
    %get3A_57 = vector.load %arg7[%get3A_56] : memref<1xf32, #tpu.memory_space<vmem>>, vector<1xf32>
    %reshape3A_58 = vector.shape_cast %get3A_57 : vector<1xf32> to vector<1x1xf32>
    %add3A_59 = vector.broadcast %reshape3A_58 : vector<1x1xf32> to vector<4096x1xf32>
    %add3A_60 = arith.addf %dot_general3A_55, %add3A_59 : vector<4096x1xf32>
    %reshape3A_61 = vector.shape_cast %add3A_60 : vector<4096x1xf32> to vector<4096xf32>
    %swap3A = arith.constant 0 : index
    %swap3A_62 = vector.load %arg8[%swap3A] : memref<4096xf32, #tpu.memory_space<vmem>>, vector<4096xf32>
    tpu.vector_store %arg8[%swap3A], %reshape3A_61 {strides = array<i32>} : memref<4096xf32, #tpu.memory_space<vmem>>, vector<4096xf32>,
    return
  }
  func.func @transform_0(%arg0: i32) -> (i32, i32) {
    %c0_i32 = arith.constant 0 : i32
    %c0_i32_0 = arith.constant 0 : i32
    return %arg0, %c0_i32 : i32, i32
  }
  func.func @transform_1(%arg0: i32) -> (i32, i32) {
    %c0_i32 = arith.constant 0 : i32
    %c0_i32_0 = arith.constant 0 : i32
    return %c0_i32, %arg0 : i32, i32
  }
  func.func @transform_2(%arg0: i32) -> i32 {
    %c0_i32 = arith.constant 0 : i32
    return %arg0 : i32
  }
  func.func @transform_3(%arg0: i32) -> (i32, i32) {
    %c0_i32 = arith.constant 0 : i32
    %c0_i32_0 = arith.constant 0 : i32
    %c0_i32_1 = arith.constant 0 : i32
    return %c0_i32, %c0_i32_0 : i32, i32
  }
  func.func @transform_4(%arg0: i32) -> i32 {
    %c0_i32 = arith.constant 0 : i32
    %c0_i32_0 = arith.constant 0 : i32
    return %c0_i32 : i32
  }
  func.func @transform_5(%arg0: i32) -> (i32, i32) {
    %c0_i32 = arith.constant 0 : i32
    %c0_i32_0 = arith.constant 0 : i32
    %c0_i32_1 = arith.constant 0 : i32
    return %c0_i32, %c0_i32_0 : i32, i32
  }
  func.func @transform_6(%arg0: i32) -> i32 {
    %c0_i32 = arith.constant 0 : i32
    %c0_i32_0 = arith.constant 0 : i32
    return %c0_i32 : i32
  }
  func.func @transform_7(%arg0: i32) -> i32 {
    %c0_i32 = arith.constant 0 : i32
    return %arg0 : i32
  }
}

</mosaic_0001>

<sc_bundles>
// kernel: kernel.5.cloned.1.call-start
scs
__scs_entry_jumppad:
0x0: {  	(pc) =	sbr.rel $0x88, $3  }
0x1: {  	(tag) =	ssettag $0x0;
	lr =	simm.s32 $0x1  }
0x2: {  	[smem:$0x3F9A] =	sst lr;
	_ =	strace $0xD0000000  }
0x3: {  	_ = 	snop  }
0x4: {  	_ = 	snop  }
0x5: {  	_ = 	snop  }
0x6: {  	_ = 	snop  }
0x7: {  	_ = 	snop  }
__scs_overlays_trampoline_lowered:
0x8: {  	[smem:$0x3FA9] =	sst s0  }
0x9: {  	[smem:$0x3FAA] =	sst s1  }
0xa: {  	[smem:$0x3FAB] =	sst s2  }
0xb: {  	[smem:$0x3FAC] =	sst s3  }
0xc: {  	[smem:$0x3FAD] =	sst s4  }
0xd: {  	[smem:$0x3FAE] =	sst s5  }
0xe: {  	[smem:$0x3FAF] =	sst s6  }
0xf: {  	[smem:$0x3FB0] =	sst s7  }
0x10: {  	[smem:$0x3FB1] =	sst s8  }
0x11: {  	[smem:$0x3FB2] =	sst s9;
	s0 =	simm.s32 @!p0 $0x0  }
0x12: {  	s1 =	sld [smem:$0x3F98];
	s0 =	simm.s32 @p0 $0x1  }
0x13: {  	[smem:$0x3FB3] =	sst s0;
	s0 =	simm.s32 @!p1 $0x0  }
0x14: {  	s2 =	sld [smem:$0x3F97];
	s0 =	simm.s32 @p1 $0x1  }
0x15: {  	[smem:$0x3FB4] =	sst s0;
	s0 =	simm.s32 @!p2 $0x0  }
0x16: {  	s3 =	sld [smem:$0x3FDB];
	s0 =	simm.s32 @p2 $0x1  }
0x17: {  	s4 =	simm.s32 $0x1BF5;
	[smem:$0x3FB6] =	sst s0  }
0x18: {  	s0 =	sld [smem:$0x3F99];
	_ =	swait.ge [sflag:s4], $0x0  }
0x19: {  	s7 =	sld [smem:$0x3F9A]  }
0x1a: {  	s8 =	sadd.s32 $0xFFFFE003, lr  }
0x1b: {  	s9 =	sadd.s32 $0xFFFFFEF7, lr;
	s5 =	simm.s32 $0xFFFFFFFF;
	p2 =	slt.u32 s8, $0xFFFFF086  }
0x1c: {  	p1 =	slt.u32 s9, $0xF7A;
	s5 =	simm.s32 @!p2 $0x0  }
0x1d: {  	s5 =	simm.s32 @p1 $0x1;
	p0 =	seq.s32 s7, s2  }
0x1e: {  	s7 =	smul.u32 @!p0 $0xF7A, s2;
	p2 =	seq.s32 @!p0 s5, $0x0  }
0x1f: {  	s9 =	smul.u32 $0xF7A, s1;
	s8 =	simm.s32 @!p0 $0x1BF5;
	p2 =	por !p2, p0  }
0x20: {  	[sflag:s8] =	ssyncset.s32 @!p0 $0xFFFFF086;
	s6 =	sadd.s32 @!p0 s3, s7;
	s7 =	simm.s32 @!p0 $0x108  }
0x21: {  	s3 =	sadd.s32 s3, s9;
	s6 =	sadd.s32 @!p0 $0x88, s6;
	s7 =	simm.s32 @p2 $0x1082  }
0x22: {  	[simem:s7], [sflag:s8] =	dma.local @!p0 [hbm:s6], $0xF7A  }
0x23: {  	s9 =	sor.u32 $0xD0000000, s2;
	s6 =	simm.s32 $0x108;
	_ =	swait.ge @!p0 [sflag:s8], $0x0  }
0x24: {  	s3 =	sadd.s32 $0x88, s3;
	s6 =	simm.s32 @!p1 $0x1082;
	[sflag:s4] =	ssyncset.s32 $0xFFFFF086  }
0x25: {  	[simem:s6], [sflag:s4] =	dma.local [hbm:s3], $0xF7A  }
0x26: {  	[smem:$0x3F9A] =	sst s1;
	(tag) =	ssettag s2;
	_ =	strace s9  }
0x27: {  	s1 =	sld [smem:$0x3FAA]  }
0x28: {  	s2 =	sld [smem:$0x3FAB]  }
0x29: {  	s4 =	sld [smem:$0x3FAD]  }
0x2a: {  	p0 =	seq.s32 s5, $0x0;
	s5 =	sld [smem:$0x3FAE]  }
0x2b: {  	s6 =	sld [smem:$0x3FAF]  }
0x2c: {  	s7 =	sld [smem:$0x3FB0]  }
0x2d: {  	s3 =	simm.s32 $0x108;
	s8 =	sld [smem:$0x3FB1]  }
0x2e: {  	s3 =	simm.s32 @!p0 $0x1082;
	s9 =	sld [smem:$0x3FB2]  }
0x2f: {  	lr =	sadd.s32 s0, s3;
	s0 =	sld [smem:$0x3FA9]  }
0x30: {  	s3 =	sld [smem:$0x3FAC]  }
0x31: {  	[smem:$0x3FB5] =	sst s10  }
0x32: {  	s10 =	sld [smem:$0x3FB3];
	_ =	sdelay $0x3  }
0x33: {  	p0 =	seq.s32 s10, $0x1;
	s10 =	sld [smem:$0x3FB5];
	_ =	sdelay $0x3  }
0x34: {  	[smem:$0x3FB5] =	sst s10  }
0x35: {  	s10 =	sld [smem:$0x3FB4];
	_ =	sdelay $0x3  }
0x36: {  	p1 =	seq.s32 s10, $0x1;
	s10 =	sld [smem:$0x3FB5];
	_ =	sdelay $0x3  }
0x37: {  	[smem:$0x3FB5] =	sst s10  }
0x38: {  	s10 =	sld [smem:$0x3FB6]  }
0x39: {  	_ = 	snop;
	(pc) =	sbr.ind lr, $3  }
0x3a: {  	_ = 	snop  }
0x3b: {  	_ = 	snop  }
0x3c: {  	p2 =	seq.s32 s10, $0x1;
	s10 =	sld [smem:$0x3FB5]  }
0x3d: {  	_ =	shalt  }
0x3e: {  	_ =	shalt  }
0x3f: {  	_ =	shalt  }
0x40: {  	_ =	shalt  }
0x41: {  	_ =	shalt  }
0x42: {  	_ =	shalt  }
0x43: {  	_ =	shalt  }
0x44: {  	_ =	shalt  }
0x45: {  	_ =	shalt  }
0x46: {  	_ =	shalt  }
0x47: {  	_ =	shalt  }
0x48: {  	_ =	shalt  }
0x49: {  	_ =	shalt  }
0x4a: {  	_ =	shalt  }
0x4b: {  	_ =	shalt  }
0x4c: {  	_ =	shalt  }
0x4d: {  	_ =	shalt  }
0x4e: {  	_ =	shalt  }
0x4f: {  	_ =	shalt  }
0x50: {  	_ =	shalt  }
0x51: {  	_ =	shalt  }
0x52: {  	_ =	shalt  }
0x53: {  	_ =	shalt  }
0x54: {  	_ =	shalt  }
0x55: {  	_ =	shalt  }
0x56: {  	_ =	shalt  }
0x57: {  	_ =	shalt  }
0x58: {  	_ =	shalt  }
0x59: {  	_ =	shalt  }
0x5a: {  	_ =	shalt  }
0x5b: {  	_ =	shalt  }
0x5c: {  	_ =	shalt  }
0x5d: {  	_ =	shalt  }
0x5e: {  	_ =	shalt  }
0x5f: {  	_ =	shalt  }
0x60: {  	_ =	shalt  }
0x61: {  	_ =	shalt  }
0x62: {  	_ =	shalt  }
0x63: {  	_ =	shalt  }
0x64: {  	_ =	shalt  }
0x65: {  	_ =	shalt  }
0x66: {  	_ =	shalt  }
0x67: {  	_ =	shalt  }
0x68: {  	_ =	shalt  }
0x69: {  	_ =	shalt  }
0x6a: {  	_ =	shalt  }
0x6b: {  	_ =	shalt  }
0x6c: {  	_ =	shalt  }
0x6d: {  	_ =	shalt  }
0x6e: {  	_ =	shalt  }
0x6f: {  	_ =	shalt  }
0x70: {  	_ =	shalt  }
0x71: {  	_ =	shalt  }
0x72: {  	_ =	shalt  }
0x73: {  	_ =	shalt  }
0x74: {  	_ =	shalt  }
0x75: {  	_ =	shalt  }
0x76: {  	_ =	shalt  }
0x77: {  	_ =	shalt  }
0x78: {  	_ =	shalt  }
0x79: {  	_ =	shalt  }
0x7a: {  	_ =	shalt  }
0x7b: {  	_ =	shalt  }
0x7c: {  	_ =	shalt  }
0x7d: {  	_ =	shalt  }
0x7e: {  	_ =	shalt  }
0x7f: {  	_ =	shalt  }
0x80: {  	_ =	shalt  }
0x81: {  	_ =	shalt  }
0x82: {  	_ =	shalt  }
0x83: {  	_ =	shalt  }
0x84: {  	_ =	shalt  }
0x85: {  	_ =	shalt  }
0x86: {  	_ =	shalt  }
0x87: {  	_ =	shalt  }
.Lfunc_end0:
.L_simem_size_0:
called_computation_lowered:
.L_overlay_start_0:
0x88: {  	s2 =	sld [smem:$0x3FD9]  }
0x89: {  	s3 =	sld [smem:$0x3FFE];
	_ =	sdelay $0x1  }
0x8a: {  	s1 =	srdreg.scid  }
0x8b: {  	s0 =	sand.u32 $0x1, s1  }
0x8c: {  	s16 =	sshll.u32 s0, $0xA;
	s2 =	sadd.s32 s3, s2  }
0x8d: {  	s2 =	sadd.s32 s2, s16  }
0x8e: {  	[smem:$0x3FC1] =	sst s2  }
0x8f: {  	_ = 	snop  }
0x90: {  	(tm) =	ssettm $0x1  }
0x91: {  	s17 =	sld [smem:$0x3FFB];
	_ =	sdelay $0x3  }
0x92: {  	_ =	strace s17  }
0x93: {  	s2 =	sld [smem:$0x3FFC];
	_ =	sdelay $0x3  }
0x94: {  	_ =	strace s2  }
0x95: {  	s2 =	sld [smem:$0x3FFD];
	_ =	sdelay $0x3  }
0x96: {  	_ =	strace s2  }
0x97: {  	_ =	strace $0x8FFFFFFF  }
0x98: {  	s18 =	sld [smem:$0x3FDB];
	_ =	sdelay $0x1  }
0x99: {  	s19 =	simm.s32 $_scs_section_size  }
0x9a: {  	s4 =	simm.s32 $_size__tile_overlayer_lowered;
	s5 =	simm.s32 $_tile_overlayer_lowered  }
0x9b: {  	s22 =	simm.s32 $0x1BFF;
	s21 =	sshll.u32 s5, $0x1;
	s2 =	sadd.s32 s19, s18  }
0x9c: {  	s6 =	simm.s32 $0x0;
	s20 =	sshll.u32 s4, $0x1;
	s4 =	sadd.s32 s21, s2  }
0x9d: {  	[timem:s6], [sflag:s22] =	dma.local [hbm:s4], s20  }
0x9e: {  	_ =	swait.ge [sflag:s22], s20  }
0x9f: {  	s3 =	ssub.s32 $0x0, s20;
	[sflag:s22] =	ssyncset.done $0x0  }
0xa0: {  	[sflag:s22] =	ssyncadd.s32 s3;
	_ =	sdelay $0x1  }
0xa1: {  	s23 =	simm.s32 $0x1B8B  }
0xa2: {  	_ =	swait.ge [sflag:s23], $0x1  }
0xa3: {  	[sflag:s23] =	ssyncset.done $0x0  }
0xa4: {  	s25 =	simm.s32 $0x1B8E;
	s24 =	sld [smem:$0x3FFE];
	[sflag:s23] =	ssyncadd.s32 $0xFFFFFFFF  }
0xa5: {  	s26 =	simm.s32 $execute0_lowered;
	[smem:$0x3FD2] =	sst s25  }
0xa6: {  	s4 =	sshll.u32 s26, $0x1;
	_ =	strace $0x80000046;
	[dreg:$0x1] =	wrdreg $0xFFFFFFFF  }
0xa7: {  	s28 =	simm.s32 $_size_execute0_lowered;
	s2 =	sadd.s32 s2, s4;
	[dreg:$0x0] =	wrdreg $0x0  }
0xa8: {  	s4 =	sshll.u32 s28, $0x1;
	[dreg:$0x2] =	wrdreg s2  }
0xa9: {  	[dreg:$0x3] =	wrdreg s4  }
0xaa: {  	[dreg:$0x4] =	wrdreg $0xC0  }
0xab: {  	_ =	task [dreg:s6], $0x5FFFF  }
0xac: {  	[dreg:$0x1] =	wrdreg $0xFFFFFFFF  }
0xad: {  	[dreg:$0x0] =	wrdreg $0x60  }
0xae: {  	[dreg:$0x2] =	wrdreg s24  }
0xaf: {  	[dreg:$0x3] =	wrdreg $0x9  }
0xb0: {  	_ =	task.clear_ibuf [dreg:s6], $0x4FFFF;
	_ =	strace $0x90000046  }
0xb1: {  	s29 =	simm.s32 $0x9;
	_ =	strace $0x80000048  }
0xb2: {  	_ =	swait.ge [sflag:s29], $0x1  }
0xb3: {  	[sflag:s29] =	ssyncadd.s32 $0xFFFFFFFF  }
0xb4: {  	_ =	strace $0x90000048  }
0xb5: {  	_ =	sfence  }
0xb6: {  	s30 =	sld [smem:$0x0];
	_ =	sdelay $0x2  }
0xb7: {  	s31 =	sshll.u32 s1, $0xD;
	s1 =	sshrl.u32 s1, $0x2  }
0xb8: {  	s3 =	sand.u32 $0x4000, s31;
	s1 =	sadd.s32 s1, s30  }
0xb9: {  	s0 =	sor.u32 s3, s0;
	s1 =	sshll.u32 s1, $0x11  }
0xba: {  	s0 =	sor.u32 s1, s0  }
0xbb: {  	s0 =	sadd.s32 $0x8F2B, s0  }
0xbc: {  	[sflag:s0] =	ssyncadd.remote.s32 $0x1  }
0xbd: {  	_ =	sfence.sel $0xFFFF  }
0xbe: {  	[dreg:$0x0] =	wrdreg $0xFFFFFFFF;
	(pc) =	sbr.abs _section_cstart, $3  }
0xbf: {  	[dreg:$0x1] =	wrdreg $0xFFFFFFFF  }
0xc0: {  	_ =	task.clear_ibuf [dreg:s6], $0x2FFFF;
	_ =	strace $0x9FFFFFFF  }
0xc1: {  	(tm) =	ssettm $0x7FFFFFFF  }
tec
execute0_lowered:
.L_overlay_start_1:
0x0: {  	(tag) =	ssettag $0x1  }
0x1: {  	s0 =	srdreg.scid  }
0x2: {  	s2 =	stileid.u32;
	s1 =	rddreg [dreg:$0x0];
	s23 =	simm.s32 $0x3  }
0x3: {  	s22 =	simm.s32 $0x40;
	s21 =	simm.s32 $0x400;
	s24 =	simm.s32 $0x80  }
0x4: {  	s20 =	simm.s32 $0x2400;
	s19 =	simm.s32 $0x4400;
	s18 =	simm.s32 $0x6400  }
0x5: {  	s28 =	simm.s32 $0x200;
	s17 =	simm.s32 $0x8400;
	s29 =	simm.s32 $0x280  }
0x6: {  	s14 =	simm.s32 $0xA400;
	p0 =	por $0x0, $0x0;
	s30 =	simm.s32 $0x300  }
0x7: {  	s15 =	simm.s32 $0xC400;
	s31 =	simm.s32 $0x380;
	s13 =	simm.s32 $0xE400  }
0x8: {  	s0 =	sand.u32 $0x1, s0;
	s3 =	sshll.u32 s2, $0x1;
	s2 =	simm.s32 $0x0  }
0x9: {  	s11 =	sadd.s32 $0x2200, s1;
	s3 =	sor.u32 s0, s3;
	s0 =	ssub.s32 $0x2, s0  }
0xa: {  	[smem:$0x7FF] =	sst s2;
	s4 =	sshll.u32 s3, $0x7;
	s26 =	sshrl.u32 s0, $0x1  }
0xb: {  	_ =	strace $0x80000047;
	s3 =	sshll.u32 s3, $0xD;
	s0 =	ssub.s32 s0, s26  }
0xc: {  	s4 =	sadd.s32 s4, s1;
	s1 =	sadd.s32 s3, s1;
	s0 =	smax.u32 s0, $0x1  }
0xd: {  	s26 =	simm.s32 $0x180;
	s12 =	sadd.s32 $0x3E2200, s1;
	p1 =	sne.s32 s0, $0x1  }
.Ltmp0:
0xe: {  	s25 =	sadd.s32 $0x1200, s4;
	s10 =	sadd.s32 $0x3E2600, s1;
	(pc) =	sbr.rel @!p1 .LBB2_3-.Ltmp0, $4  }
0xf: {  	s16 =	simm.s32 $0x1;
	s9 =	sadd.s32 $0x3E2A00, s1;
	s8 =	sadd.s32 $0x3E2E00, s1  }
0x10: {  	s3 =	simm.s32 $0x2;
	s7 =	sadd.s32 $0x3E3200, s1;
	s6 =	sadd.s32 $0x3E3600, s1  }
0x11: {  	s5 =	sadd.s32 $0x3E3A00, s1;
	s4 =	sadd.s32 $0x3E3E00, s1;
	[dreg:$0x2] =	wrdreg s25  }
0x12: {  	s25 =	simm.s32 $0x100;
	s1 =	sadd.s32 $0xFFFFFFFF, s0;
	s0 =	rddreg [dreg:$0x2]  }
0x13: {  	[tilespmem:s2], [sflag:$0x3] =	stream.linear.gather [hbm4b:s0+s2], $0x400, $0x38;
	[tilespmem:$0x10400] =	vst v63  }
0x14: {  	_ =	swait.ge [sflag:s23], $0x400  }
0x15: {  	[sflag:s23] =	ssyncset.done $0x0  }
0x16: {  	[sflag:s23] =	ssyncadd.s32 $0xFFFFFC00  }
0x17: {  	[tilespmem:s21], [sflag:$0x1] =	stream.indirect.gather [hbm4b:s11+s22], $0x80, s2, s22, $0xb8;
	[tilespmem:$0x10400] =	vst v63  }
0x18: {  	_ = 	snop  }
0x19: {  	[tilespmem:s20], [sflag:$0x1] =	stream.indirect.gather [hbm4b:s11+s22], $0x80, s24, s22, $0xb8;
	[tilespmem:$0x10400] =	vst v63  }
0x1a: {  	_ = 	snop  }
0x1b: {  	[tilespmem:s19], [sflag:$0x1] =	stream.indirect.gather [hbm4b:s11+s22], $0x80, s25, s22, $0xb8;
	[tilespmem:$0x10400] =	vst v63  }
0x1c: {  	_ = 	snop  }
0x1d: {  	[tilespmem:s18], [sflag:$0x1] =	stream.indirect.gather [hbm4b:s11+s22], $0x80, s26, s22, $0xb8;
	[tilespmem:$0x10400] =	vst v63  }
0x1e: {  	_ = 	snop  }
0x1f: {  	[tilespmem:s17], [sflag:$0x1] =	stream.indirect.gather [hbm4b:s11+s22], $0x80, s28, s22, $0xb8;
	[tilespmem:$0x10400] =	vst v63  }
0x20: {  	_ = 	snop  }
0x21: {  	[tilespmem:s14], [sflag:$0x1] =	stream.indirect.gather [hbm4b:s11+s22], $0x80, s29, s22, $0xb8;
	[tilespmem:$0x10400] =	vst v63  }
0x22: {  	_ = 	snop  }
0x23: {  	[tilespmem:s15], [sflag:$0x1] =	stream.indirect.gather [hbm4b:s11+s22], $0x80, s30, s22, $0xb8;
	[tilespmem:$0x10400] =	vst v63  }
0x24: {  	_ = 	snop  }
0x25: {  	[tilespmem:s13], [sflag:$0x1] =	stream.indirect.gather [hbm4b:s11+s22], $0x80, s31, s22, $0xb8;
	[tilespmem:$0x10400] =	vst v63  }
0x26: {  	_ =	swait.ge [sflag:s16], $0x2000  }
0x27: {  	[sflag:s16] =	ssyncset.done $0x0  }
0x28: {  	[sflag:s16] =	ssyncadd.s32 $0xFFFFE000  }
0x29: {  	[hbm4b:s12+s2] =	stream.linear.scatter [tilespmem:s21], [sflag:$0x2], $0x2000, $0x38;
	[tilespmem:$0x10400] =	vst v63  }
0x2a: {  	_ =	swait.ge [sflag:s16], $0x2000  }
0x2b: {  	[sflag:s16] =	ssyncset.done $0x0  }
0x2c: {  	[sflag:s16] =	ssyncadd.s32 $0xFFFFE000  }
0x2d: {  	[hbm4b:s10+s2] =	stream.linear.scatter [tilespmem:s20], [sflag:$0x2], $0x2000, $0x38;
	[tilespmem:$0x10400] =	vst v63  }
0x2e: {  	_ =	swait.ge [sflag:s16], $0x2000  }
0x2f: {  	[sflag:s16] =	ssyncset.done $0x0  }
0x30: {  	[sflag:s16] =	ssyncadd.s32 $0xFFFFE000  }
0x31: {  	[hbm4b:s9+s2] =	stream.linear.scatter [tilespmem:s19], [sflag:$0x2], $0x2000, $0x38;
	[tilespmem:$0x10400] =	vst v63  }
0x32: {  	_ =	swait.ge [sflag:s16], $0x2000  }
0x33: {  	[sflag:s16] =	ssyncset.done $0x0  }
0x34: {  	[sflag:s16] =	ssyncadd.s32 $0xFFFFE000  }
0x35: {  	[hbm4b:s8+s2] =	stream.linear.scatter [tilespmem:s18], [sflag:$0x2], $0x2000, $0x38;
	[tilespmem:$0x10400] =	vst v63  }
0x36: {  	_ =	swait.ge [sflag:s16], $0x2000  }
0x37: {  	[sflag:s16] =	ssyncset.done $0x0  }
0x38: {  	[sflag:s16] =	ssyncadd.s32 $0xFFFFE000  }
0x39: {  	[hbm4b:s7+s2] =	stream.linear.scatter [tilespmem:s17], [sflag:$0x2], $0x2000, $0x38;
	[tilespmem:$0x10400] =	vst v63  }
0x3a: {  	_ =	swait.ge [sflag:s16], $0x2000  }
0x3b: {  	[sflag:s16] =	ssyncset.done $0x0  }
0x3c: {  	[sflag:s16] =	ssyncadd.s32 $0xFFFFE000  }
0x3d: {  	[hbm4b:s6+s2] =	stream.linear.scatter [tilespmem:s14], [sflag:$0x2], $0x2000, $0x38;
	[tilespmem:$0x10400] =	vst v63  }
0x3e: {  	_ =	swait.ge [sflag:s16], $0x2000  }
0x3f: {  	[sflag:s16] =	ssyncset.done $0x0  }
0x40: {  	[sflag:s16] =	ssyncadd.s32 $0xFFFFE000  }
0x41: {  	[hbm4b:s5+s2] =	stream.linear.scatter [tilespmem:s15], [sflag:$0x2], $0x2000, $0x38;
	[tilespmem:$0x10400] =	vst v63  }
0x42: {  	_ =	swait.ge [sflag:s16], $0x2000  }
0x43: {  	[sflag:s16] =	ssyncset.done $0x0  }
0x44: {  	[sflag:s16] =	ssyncadd.s32 $0xFFFFE000  }
0x45: {  	[hbm4b:s4+s2] =	stream.linear.scatter [tilespmem:s13], [sflag:$0x2], $0x2000, $0x38;
	[tilespmem:$0x10400] =	vst v63  }
0x46: {  	_ =	swait.ge [sflag:s3], $0x2000  }
0x47: {  	[sflag:s3] =	ssyncset.done $0x0  }
0x48: {  	[sflag:s3] =	ssyncadd.s32 $0xFFFFE000  }
0x49: {  	_ =	swait.ge [sflag:s3], $0x2000  }
0x4a: {  	[sflag:s3] =	ssyncset.done $0x0  }
0x4b: {  	[sflag:s3] =	ssyncadd.s32 $0xFFFFE000  }
0x4c: {  	_ =	swait.ge [sflag:s3], $0x2000  }
0x4d: {  	[sflag:s3] =	ssyncset.done $0x0  }
0x4e: {  	[sflag:s3] =	ssyncadd.s32 $0xFFFFE000  }
0x4f: {  	_ =	swait.ge [sflag:s3], $0x2000  }
0x50: {  	[sflag:s3] =	ssyncset.done $0x0  }
0x51: {  	[sflag:s3] =	ssyncadd.s32 $0xFFFFE000  }
0x52: {  	_ =	swait.ge [sflag:s3], $0x2000  }
0x53: {  	[sflag:s3] =	ssyncset.done $0x0  }
0x54: {  	[sflag:s3] =	ssyncadd.s32 $0xFFFFE000  }
0x55: {  	_ =	swait.ge [sflag:s3], $0x2000  }
0x56: {  	[sflag:s3] =	ssyncset.done $0x0  }
0x57: {  	p1 =	sne.s32 s1, $0x1;
	[sflag:s3] =	ssyncadd.s32 $0xFFFFE000  }
.Ltmp1:
0x58: {  	_ =	swait.ge [sflag:s3], $0x2000;
	(pc) =	sbr.rel @!p1 .LBB2_3-.Ltmp1, $4  }
0x59: {  	[sflag:s3] =	ssyncset.done $0x0  }
0x5a: {  	[sflag:s3] =	ssyncadd.s32 $0xFFFFE000  }
0x5b: {  	s1 =	sadd.s32 $0xFFFFFFFF, s1;
	_ =	swait.ge [sflag:s3], $0x2000  }
0x5c: {  	p0 =	por $0x1, $0x1;
	s0 =	rddreg [dreg:$0x2];
	[sflag:s3] =	ssyncset.done $0x0  }
.LBB2_2:
0x5d: {  	[sflag:s3] =	ssyncadd.s32 $0xFFFFE000  }
0x5e: {  	[tilespmem:s2], [sflag:$0x3] =	stream.linear.gather [hbm4b:s0+s2], $0x400, $0x38;
	[tilespmem:$0x10400] =	vst v63  }
0x5f: {  	_ =	swait.ge [sflag:s23], $0x400  }
0x60: {  	[sflag:s23] =	ssyncset.done $0x0  }
0x61: {  	[sflag:s23] =	ssyncadd.s32 $0xFFFFFC00  }
0x62: {  	[tilespmem:s21], [sflag:$0x1] =	stream.indirect.gather [hbm4b:s11+s22], $0x80, s2, s22, $0xb8;
	[tilespmem:$0x10400] =	vst v63  }
0x63: {  	_ = 	snop  }
0x64: {  	[tilespmem:s20], [sflag:$0x1] =	stream.indirect.gather [hbm4b:s11+s22], $0x80, s24, s22, $0xb8;
	[tilespmem:$0x10400] =	vst v63  }
0x65: {  	_ = 	snop  }
0x66: {  	[tilespmem:s19], [sflag:$0x1] =	stream.indirect.gather [hbm4b:s11+s22], $0x80, s25, s22, $0xb8;
	[tilespmem:$0x10400] =	vst v63  }
0x67: {  	_ = 	snop  }
0x68: {  	[tilespmem:s18], [sflag:$0x1] =	stream.indirect.gather [hbm4b:s11+s22], $0x80, s26, s22, $0xb8;
	[tilespmem:$0x10400] =	vst v63  }
0x69: {  	_ = 	snop  }
0x6a: {  	[tilespmem:s17], [sflag:$0x1] =	stream.indirect.gather [hbm4b:s11+s22], $0x80, s28, s22, $0xb8;
	[tilespmem:$0x10400] =	vst v63  }
0x6b: {  	_ = 	snop  }
0x6c: {  	[tilespmem:s14], [sflag:$0x1] =	stream.indirect.gather [hbm4b:s11+s22], $0x80, s29, s22, $0xb8;
	[tilespmem:$0x10400] =	vst v63  }
0x6d: {  	_ = 	snop  }
0x6e: {  	[tilespmem:s15], [sflag:$0x1] =	stream.indirect.gather [hbm4b:s11+s22], $0x80, s30, s22, $0xb8;
	[tilespmem:$0x10400] =	vst v63  }
0x6f: {  	_ = 	snop  }
0x70: {  	[tilespmem:s13], [sflag:$0x1] =	stream.indirect.gather [hbm4b:s11+s22], $0x80, s31, s22, $0xb8;
	[tilespmem:$0x10400] =	vst v63  }
0x71: {  	_ =	swait.ge [sflag:s16], $0x2000  }
0x72: {  	[sflag:s16] =	ssyncset.done $0x0  }
0x73: {  	[sflag:s16] =	ssyncadd.s32 $0xFFFFE000  }
0x74: {  	[hbm4b:s12+s2] =	stream.linear.scatter [tilespmem:s21], [sflag:$0x2], $0x2000, $0x38;
	[tilespmem:$0x10400] =	vst v63  }
0x75: {  	_ =	swait.ge [sflag:s16], $0x2000  }
0x76: {  	[sflag:s16] =	ssyncset.done $0x0  }
0x77: {  	[sflag:s16] =	ssyncadd.s32 $0xFFFFE000  }
0x78: {  	[hbm4b:s10+s2] =	stream.linear.scatter [tilespmem:s20], [sflag:$0x2], $0x2000, $0x38;
	[tilespmem:$0x10400] =	vst v63  }
0x79: {  	_ =	swait.ge [sflag:s16], $0x2000  }
0x7a: {  	[sflag:s16] =	ssyncset.done $0x0  }
0x7b: {  	[sflag:s16] =	ssyncadd.s32 $0xFFFFE000  }
0x7c: {  	[hbm4b:s9+s2] =	stream.linear.scatter [tilespmem:s19], [sflag:$0x2], $0x2000, $0x38;
	[tilespmem:$0x10400] =	vst v63  }
0x7d: {  	_ =	swait.ge [sflag:s16], $0x2000  }
0x7e: {  	[sflag:s16] =	ssyncset.done $0x0  }
0x7f: {  	[sflag:s16] =	ssyncadd.s32 $0xFFFFE000  }
0x80: {  	[hbm4b:s8+s2] =	stream.linear.scatter [tilespmem:s18], [sflag:$0x2], $0x2000, $0x38;
	[tilespmem:$0x10400] =	vst v63  }
0x81: {  	_ =	swait.ge [sflag:s16], $0x2000  }
0x82: {  	[sflag:s16] =	ssyncset.done $0x0  }
0x83: {  	[sflag:s16] =	ssyncadd.s32 $0xFFFFE000  }
0x84: {  	[hbm4b:s7+s2] =	stream.linear.scatter [tilespmem:s17], [sflag:$0x2], $0x2000, $0x38;
	[tilespmem:$0x10400] =	vst v63  }
0x85: {  	_ =	swait.ge [sflag:s16], $0x2000  }
0x86: {  	[sflag:s16] =	ssyncset.done $0x0  }
0x87: {  	[sflag:s16] =	ssyncadd.s32 $0xFFFFE000  }
0x88: {  	[hbm4b:s6+s2] =	stream.linear.scatter [tilespmem:s14], [sflag:$0x2], $0x2000, $0x38;
	[tilespmem:$0x10400] =	vst v63  }
0x89: {  	_ =	swait.ge [sflag:s16], $0x2000  }
0x8a: {  	[sflag:s16] =	ssyncset.done $0x0  }
0x8b: {  	[sflag:s16] =	ssyncadd.s32 $0xFFFFE000  }
0x8c: {  	[hbm4b:s5+s2] =	stream.linear.scatter [tilespmem:s15], [sflag:$0x2], $0x2000, $0x38;
	[tilespmem:$0x10400] =	vst v63  }
0x8d: {  	_ =	swait.ge [sflag:s16], $0x2000  }
0x8e: {  	[sflag:s16] =	ssyncset.done $0x0  }
0x8f: {  	[sflag:s16] =	ssyncadd.s32 $0xFFFFE000  }
0x90: {  	[hbm4b:s4+s2] =	stream.linear.scatter [tilespmem:s13], [sflag:$0x2], $0x2000, $0x38;
	[tilespmem:$0x10400] =	vst v63  }
0x91: {  	_ =	swait.ge [sflag:s3], $0x2000  }
0x92: {  	[sflag:s3] =	ssyncset.done $0x0  }
0x93: {  	[sflag:s3] =	ssyncadd.s32 $0xFFFFE000  }
0x94: {  	_ =	swait.ge [sflag:s3], $0x2000  }
0x95: {  	[sflag:s3] =	ssyncset.done $0x0  }
0x96: {  	[sflag:s3] =	ssyncadd.s32 $0xFFFFE000  }
0x97: {  	_ =	swait.ge [sflag:s3], $0x2000  }
0x98: {  	[sflag:s3] =	ssyncset.done $0x0  }
0x99: {  	[sflag:s3] =	ssyncadd.s32 $0xFFFFE000  }
0x9a: {  	_ =	swait.ge [sflag:s3], $0x2000  }
0x9b: {  	[sflag:s3] =	ssyncset.done $0x0  }
0x9c: {  	[sflag:s3] =	ssyncadd.s32 $0xFFFFE000  }
0x9d: {  	_ =	swait.ge [sflag:s3], $0x2000  }
0x9e: {  	[sflag:s3] =	ssyncset.done $0x0  }
0x9f: {  	[sflag:s3] =	ssyncadd.s32 $0xFFFFE000  }
0xa0: {  	_ =	swait.ge [sflag:s3], $0x2000  }
0xa1: {  	[sflag:s3] =	ssyncset.done $0x0  }
0xa2: {  	p1 =	sne.s32 s1, $0x1;
	[sflag:s3] =	ssyncadd.s32 $0xFFFFE000  }
.Ltmp2:
0xa3: {  	_ =	swait.ge [sflag:s3], $0x2000;
	(pc) =	sbr.rel @p1 .LBB2_2-.Ltmp2, $4  }
0xa4: {  	[sflag:s3] =	ssyncset.done $0x0  }
0xa5: {  	[sflag:s3] =	ssyncadd.s32 $0xFFFFE000  }
0xa6: {  	_ =	swait.ge [sflag:s3], $0x2000  }
0xa7: {  	s1 =	sadd.s32 $0xFFFFFFFF, s1;
	s0 =	rddreg [dreg:$0x2];
	[sflag:s3] =	ssyncset.done $0x0  }
.LBB2_3:
0xa8: {  	[sflag:s3] =	ssyncadd.s32 @p0 $0xFFFFE000  }
0xa9: {  	[tilespmem:s2], [sflag:$0x3] =	stream.linear.gather [hbm4b:s0+s2], $0x400, $0x38;
	[tilespmem:$0x10400] =	vst v63  }
0xaa: {  	_ =	swait.ge [sflag:s23], $0x400  }
0xab: {  	[sflag:s23] =	ssyncset.done $0x0  }
0xac: {  	[sflag:s23] =	ssyncadd.s32 $0xFFFFFC00  }
0xad: {  	[tilespmem:s21], [sflag:$0x1] =	stream.indirect.gather [hbm4b:s11+s22], $0x80, s2, s22, $0xb8;
	[tilespmem:$0x10400] =	vst v63  }
0xae: {  	_ = 	snop  }
0xaf: {  	[tilespmem:s20], [sflag:$0x1] =	stream.indirect.gather [hbm4b:s11+s22], $0x80, s24, s22, $0xb8;
	[tilespmem:$0x10400] =	vst v63  }
0xb0: {  	_ = 	snop  }
0xb1: {  	[tilespmem:s19], [sflag:$0x1] =	stream.indirect.gather [hbm4b:s11+s22], $0x80, s25, s22, $0xb8;
	[tilespmem:$0x10400] =	vst v63  }
0xb2: {  	_ = 	snop  }
0xb3: {  	[tilespmem:s18], [sflag:$0x1] =	stream.indirect.gather [hbm4b:s11+s22], $0x80, s26, s22, $0xb8;
	[tilespmem:$0x10400] =	vst v63  }
0xb4: {  	_ = 	snop  }
0xb5: {  	[tilespmem:s17], [sflag:$0x1] =	stream.indirect.gather [hbm4b:s11+s22], $0x80, s28, s22, $0xb8;
	[tilespmem:$0x10400] =	vst v63  }
0xb6: {  	_ = 	snop  }
0xb7: {  	[tilespmem:s14], [sflag:$0x1] =	stream.indirect.gather [hbm4b:s11+s22], $0x80, s29, s22, $0xb8;
	[tilespmem:$0x10400] =	vst v63  }
0xb8: {  	_ = 	snop  }
0xb9: {  	[tilespmem:s15], [sflag:$0x1] =	stream.indirect.gather [hbm4b:s11+s22], $0x80, s30, s22, $0xb8;
	[tilespmem:$0x10400] =	vst v63  }
0xba: {  	_ = 	snop  }
0xbb: {  	[tilespmem:s13], [sflag:$0x1] =	stream.indirect.gather [hbm4b:s11+s22], $0x80, s31, s22, $0xb8;
	[tilespmem:$0x10400] =	vst v63  }
0xbc: {  	_ =	swait.ge [sflag:s16], $0x2000  }
0xbd: {  	[sflag:s16] =	ssyncset.done $0x0  }
0xbe: {  	[sflag:s16] =	ssyncadd.s32 $0xFFFFE000  }
0xbf: {  	[hbm4b:s12+s2] =	stream.linear.scatter [tilespmem:s21], [sflag:$0x2], $0x2000, $0x38;
	[tilespmem:$0x10400] =	vst v63  }
0xc0: {  	_ =	swait.ge [sflag:s16], $0x2000  }
0xc1: {  	[sflag:s16] =	ssyncset.done $0x0  }
0xc2: {  	[sflag:s16] =	ssyncadd.s32 $0xFFFFE000  }
0xc3: {  	[hbm4b:s10+s2] =	stream.linear.scatter [tilespmem:s20], [sflag:$0x2], $0x2000, $0x38;
	[tilespmem:$0x10400] =	vst v63  }
0xc4: {  	_ =	swait.ge [sflag:s16], $0x2000  }
0xc5: {  	[sflag:s16] =	ssyncset.done $0x0  }
0xc6: {  	[sflag:s16] =	ssyncadd.s32 $0xFFFFE000  }
0xc7: {  	[hbm4b:s9+s2] =	stream.linear.scatter [tilespmem:s19], [sflag:$0x2], $0x2000, $0x38;
	[tilespmem:$0x10400] =	vst v63  }
0xc8: {  	_ =	swait.ge [sflag:s16], $0x2000  }
0xc9: {  	[sflag:s16] =	ssyncset.done $0x0  }
0xca: {  	[sflag:s16] =	ssyncadd.s32 $0xFFFFE000  }
0xcb: {  	[hbm4b:s8+s2] =	stream.linear.scatter [tilespmem:s18], [sflag:$0x2], $0x2000, $0x38;
	[tilespmem:$0x10400] =	vst v63  }
0xcc: {  	_ =	swait.ge [sflag:s16], $0x2000  }
0xcd: {  	[sflag:s16] =	ssyncset.done $0x0  }
0xce: {  	[sflag:s16] =	ssyncadd.s32 $0xFFFFE000  }
0xcf: {  	[hbm4b:s7+s2] =	stream.linear.scatter [tilespmem:s17], [sflag:$0x2], $0x2000, $0x38;
	[tilespmem:$0x10400] =	vst v63  }
0xd0: {  	_ =	swait.ge [sflag:s16], $0x2000  }
0xd1: {  	[sflag:s16] =	ssyncset.done $0x0  }
0xd2: {  	[sflag:s16] =	ssyncadd.s32 $0xFFFFE000  }
0xd3: {  	[hbm4b:s6+s2] =	stream.linear.scatter [tilespmem:s14], [sflag:$0x2], $0x2000, $0x38;
	[tilespmem:$0x10400] =	vst v63  }
0xd4: {  	_ =	swait.ge [sflag:s16], $0x2000  }
0xd5: {  	[sflag:s16] =	ssyncset.done $0x0  }
0xd6: {  	[sflag:s16] =	ssyncadd.s32 $0xFFFFE000  }
0xd7: {  	[hbm4b:s5+s2] =	stream.linear.scatter [tilespmem:s15], [sflag:$0x2], $0x2000, $0x38;
	[tilespmem:$0x10400] =	vst v63  }
0xd8: {  	_ =	swait.ge [sflag:s16], $0x2000  }
0xd9: {  	[sflag:s16] =	ssyncset.done $0x0  }
0xda: {  	[sflag:s16] =	ssyncadd.s32 $0xFFFFE000  }
0xdb: {  	[hbm4b:s4+s2] =	stream.linear.scatter [tilespmem:s13], [sflag:$0x2], $0x2000, $0x38;
	[tilespmem:$0x10400] =	vst v63  }
0xdc: {  	_ =	swait.ge [sflag:s3], $0x2000  }
0xdd: {  	[sflag:s3] =	ssyncset.done $0x0  }
0xde: {  	[sflag:s3] =	ssyncadd.s32 $0xFFFFE000  }
0xdf: {  	_ =	swait.ge [sflag:s3], $0x2000  }
0xe0: {  	[sflag:s3] =	ssyncset.done $0x0  }
0xe1: {  	[sflag:s3] =	ssyncadd.s32 $0xFFFFE000  }
0xe2: {  	_ =	swait.ge [sflag:s3], $0x2000  }
0xe3: {  	[sflag:s3] =	ssyncset.done $0x0  }
0xe4: {  	[sflag:s3] =	ssyncadd.s32 $0xFFFFE000  }
0xe5: {  	_ =	swait.ge [sflag:s3], $0x2000  }
0xe6: {  	[sflag:s3] =	ssyncset.done $0x0  }
0xe7: {  	[sflag:s3] =	ssyncadd.s32 $0xFFFFE000  }
0xe8: {  	_ =	swait.ge [sflag:s3], $0x2000  }
0xe9: {  	[sflag:s3] =	ssyncset.done $0x0  }
0xea: {  	[sflag:s3] =	ssyncadd.s32 $0xFFFFE000  }
0xeb: {  	_ =	swait.ge [sflag:s3], $0x2000  }
0xec: {  	[sflag:s3] =	ssyncset.done $0x0  }
0xed: {  	[sflag:s3] =	ssyncadd.s32 $0xFFFFE000  }
0xee: {  	_ =	swait.ge [sflag:s3], $0x2000  }
0xef: {  	[sflag:s3] =	ssyncset.done $0x0  }
0xf0: {  	[sflag:s3] =	ssyncadd.s32 $0xFFFFE000  }
0xf1: {  	_ =	swait.ge [sflag:s3], $0x2000  }
0xf2: {  	[sflag:s3] =	ssyncset.done $0x0  }
0xf3: {  	[sflag:s3] =	ssyncadd.s32 $0xFFFFE000  }
0xf4: {  	_ =	sfence.sel $0x180000  }
0xf5: {  	[bflag:$0x0] =	sbarrier.arrive $0xFFFF  }
0xf6: {  	_ =	strace $0x90000047  }
0xf7: {  	s31 =	stileid.u32;
	[bflag:$0x2] =	sbarrier.arrive $0xFFFF  }
0xf8: {  	p0 =	sne.s32 s31, $0x0;
	s0 =	rddreg [dreg:$0x1]  }
0xf9: {  	s0 =	sadd.s32 @!p0 $0x100000, s0  }
0xfa: {  	[sflag:s0] =	ssyncadd.tile.s32 @!p0 $0x1;
	_ =	shalt  }
.Lfunc_end2:
_tile_overlayer_lowered:
.L_overlay_start_2:
0xfb: {  	(tag) =	ssettag $0x2  }
0xfc: {  	s0 =	rddreg [dreg:$0x0];
	s2 =	stileid.u32  }
0xfd: {  	s1 =	rddreg [dreg:$0x1];
	p0 =	sne.s32 s2, $0x0  }
0xfe: {  	s3 =	rddreg [dreg:$0x2];
	[bflag:$0x3] =	sbarrier.arrive $0xFFFF;
	s2 =	simm.s32 @!p0 $0x1C03  }
0xff: {  	[timem:s3], [sflag:s2] =	dma.local @!p0 [hbm:s0], s1  }
0x100: {  	s0 =	simm.s32 @!p0 $0x3  }
0x101: {  	_ =	swait.ge @!p0 [sflag:s0], s1  }
0x102: {  	s1 =	ssub.s32 @!p0 $0x0, s1;
	[sflag:s0] =	ssyncset.done @!p0 $0x0  }
0x103: {  	[sflag:s0] =	ssyncadd.s32 @!p0 s1  }
0x104: {  	[bflag:$0x3] =	sbarrier.arrive $0xFFFF  }
0x105: {  	_ =	shalt  }

</sc_bundles>
